<compile_context>
chip_gen: v7x
topology: tpu7x:2x2x1
jax: 0.10.2.dev20260603
libtpu: 0.0.44.dev20260713+nightly
codegen_flags: <defaults>
</compile_context>

<pallas_src>
import jax
import jax.numpy as jnp
from jax import lax
from jax.experimental import pallas as pl
from jax.experimental.pallas import tpu as pltpu
from jax.experimental.pallas import tpu_sc as plsc

_B = 16384
_S = 200
_N = _B * _S
_V = 1000000
_NC = 2
_NS = 16
_NW = _NC * _NS
_SEG = 2048
_SEG_PER_ROW = _B // _SEG
_NSEG = _S * _SEG_PER_ROW
_SEG_W = _NSEG // _NW
_PAIRS = _SEG_W // 2
_LANES = 16
_STAGE_CHUNK = 8192
_N_FULL_CHUNKS = _V // _STAGE_CHUNK
_STAGE_TAIL = _V - _N_FULL_CHUNKS * _STAGE_CHUNK
_N_STAGE_CHUNKS = _N_FULL_CHUNKS + 1
_STAGE_TRIPS = -(-_N_STAGE_CHUNKS // _NS)


def _gather_exp_body(x_hbm, table_hbm, out_hbm, stage_v, idx_a, idx_b,
                     rows_a, rows_b, etab_s, sem_g, sem_ia, sem_ib,
                     sem_oa, sem_ob):
    c = lax.axis_index("c")
    s = lax.axis_index("s")
    wid = s * _NC + c

    base = wid * _SEG_W

    def _x_slice(q):
        r = q // _SEG_PER_ROW
        b0 = (q % _SEG_PER_ROW) * _SEG
        return x_hbm.at[pl.ds(r, 1), pl.ds(b0, _SEG)]

    pltpu.async_copy(_x_slice(base), idx_a, sem_ia)

    def _stage(off, size):
        pltpu.sync_copy(table_hbm.at[0, pl.ds(off, size)],
                        stage_v.at[pl.ds(0, size)])

        def exp_body(vi, cc):
            sl = pl.ds(pl.multiple_of(vi * _LANES, _LANES), _LANES)
            stage_v[sl] = jnp.exp(stage_v[sl])
            return cc

        lax.fori_loop(0, size // _LANES, exp_body, 0)
        pltpu.sync_copy(stage_v.at[pl.ds(0, size)],
                        etab_s.at[pl.ds(off, size)])

    def stage_body(k, carry):
        ci = k * _NS + s

        @pl.when(ci < _N_FULL_CHUNKS)
        def _():
            _stage(ci * _STAGE_CHUNK, _STAGE_CHUNK)

        @pl.when(ci == _N_FULL_CHUNKS)
        def _():
            _stage(_N_FULL_CHUNKS * _STAGE_CHUNK, _STAGE_TAIL)

        return carry

    lax.fori_loop(0, _STAGE_TRIPS, stage_body, 0)
    plsc.subcore_barrier()

    def _out_slice(q):
        r = q // _SEG_PER_ROW
        b0 = (q % _SEG_PER_ROW) * _SEG
        return out_hbm.at[pl.ds(r, 1), pl.ds(b0, _SEG)]

    def _run_seg(q, qnext, qprev, idx_c, rows_c, idx_n, sem_ic, sem_in,
                 sem_oc, j):
        pltpu.make_async_copy(_x_slice(q), idx_c, sem_ic).wait()

        @pl.when(qnext < base + _SEG_W)
        def _():
            pltpu.async_copy(_x_slice(qnext), idx_n, sem_in)

        @pl.when(j > 0)
        def _():
            pltpu.make_async_copy(rows_c, _out_slice(qprev), sem_oc).wait()

        pltpu.async_copy(etab_s.at[idx_c.at[0]], rows_c.at[0], sem_g).wait()
        pltpu.async_copy(rows_c, _out_slice(q), sem_oc)

    def pair_body(j, carry):
        q0 = base + 2 * j
        _run_seg(q0, q0 + 1, q0 - 2, idx_a, rows_a, idx_b, sem_ia, sem_ib,
                 sem_oa, j)
        _run_seg(q0 + 1, q0 + 2, q0 - 1, idx_b, rows_b, idx_a, sem_ib,
                 sem_ia, sem_ob, j)
        return carry

    lax.fori_loop(0, _PAIRS, pair_body, 0)
    pltpu.make_async_copy(rows_a, _out_slice(base + _SEG_W - 2),
                          sem_oa).wait()
    pltpu.make_async_copy(rows_b, _out_slice(base + _SEG_W - 1),
                          sem_ob).wait()


def kernel(x, table):
    xt = x.T
    tt = table.T
    mesh = plsc.VectorSubcoreMesh(core_axis_name="c", subcore_axis_name="s")
    fn = pl.kernel(
        _gather_exp_body,
        out_type=jax.ShapeDtypeStruct((_S, _B), jnp.float32),
        mesh=mesh,
        scratch_types=[
            pltpu.VMEM((_STAGE_CHUNK,), jnp.float32),
            pltpu.VMEM((1, _SEG), jnp.int32),
            pltpu.VMEM((1, _SEG), jnp.int32),
            pltpu.VMEM((1, _SEG), jnp.float32),
            pltpu.VMEM((1, _SEG), jnp.float32),
            pltpu.VMEM_SHARED((_V,), jnp.float32),
            pltpu.SemaphoreType.DMA,
            pltpu.SemaphoreType.DMA,
            pltpu.SemaphoreType.DMA,
            pltpu.SemaphoreType.DMA,
            pltpu.SemaphoreType.DMA,
        ],
    )
    return fn(xt, tt).T

# --- scband reference (transcript-rebuilt; emitter-appended) ---
"""Pipeline reference for scband-s2-kmer-model-18098992185407 (READ-ONLY COPY).

The authoritative reference and input builder live on the scoring server;
editing this copy changes nothing except your own understanding.
"""

import jax, jax.numpy as jnp
import numpy as np

MOTIF_COUNT = 1000000
EMBED_DIM = 1
BATCH = 16384
SEQ = 200


def setup_inputs(seed: int = 0) -> dict:
    key = jax.random.key(seed)
    k1, k2 = jax.random.split(key)
    x = jax.random.randint(k1, (BATCH, SEQ), 0, MOTIF_COUNT)
    # nn.Embedding weight, normal(0,1) init by default in torch
    table = jax.random.normal(k2, (MOTIF_COUNT, EMBED_DIM), dtype=jnp.float32) * 0.02
    return {"x": x, "table": table}


def reference(x, table):
    # embedding lookup -> squeeze(-1) -> exp  (log_counts=False path)
    emb = jnp.take(table, x, axis=0)          # [B, S, 1]
    z = jnp.squeeze(emb, axis=-1)             # [B, S]
    return jnp.exp(z)

if __name__ == "__main__":
    import jax
    _d = setup_inputs()
    print(jax.jit(kernel)(*tuple(_d.values())))

</pallas_src>

<mosaic_0001>
#map = affine_map<(d0, d1) -> (0, 0)>
module attributes {stable_mosaic.version = 14 : i64} {
  func.func @_gather_exp_body(%arg0: i32, %arg1: i32, %arg2: memref<200x16384xi32, #tpu.memory_space<hbm>>, %arg3: memref<1x1000000xf32, #tpu.memory_space<hbm>>, %arg4: memref<200x16384xf32, #tpu.memory_space<hbm>>, %arg5: memref<8192xf32, #tpu.memory_space<vmem>>, %arg6: memref<1x2048xi32, #tpu.memory_space<vmem>>, %arg7: memref<1x2048xi32, #tpu.memory_space<vmem>>, %arg8: memref<1x2048xf32, #tpu.memory_space<vmem>>, %arg9: memref<1x2048xf32, #tpu.memory_space<vmem>>, %arg10: memref<1000000xf32, #tpu.memory_space<vmem_shared>>, %arg11: memref<!tpu.dma_semaphore, #tpu.memory_space<semaphore_mem>>, %arg12: memref<!tpu.dma_semaphore, #tpu.memory_space<semaphore_mem>>, %arg13: memref<!tpu.dma_semaphore, #tpu.memory_space<semaphore_mem>>, %arg14: memref<!tpu.dma_semaphore, #tpu.memory_space<semaphore_mem>>, %arg15: memref<!tpu.dma_semaphore, #tpu.memory_space<semaphore_mem>>) attributes {dimension_semantics = [#tpu.dimension_semantics<core_parallel>, #tpu.dimension_semantics<subcore_parallel>], iteration_bounds = array<i64: 2, 16>, scalar_prefetch = 0 : i64, scratch_operands = 11 : i64, tpu.core_type = #tpu.core_type<sc_vector_subcore>, window_params = [{transform_indices = #map}, {transform_indices = #map}, {transform_indices = #map}]} {
    %mul3A = arith.constant 2 : i32
    %mul3A_0 = arith.muli %arg1, %mul3A : i32
    %add3A = arith.addi %mul3A_0, %arg0 : i32
    %mul3A_1 = arith.constant 50 : i32
    %mul3A_2 = arith.muli %add3A, %mul3A_1 : i32
    %jit3A = arith.constant 8 : i32
    %div3A = arith.divsi %mul3A_2, %jit3A : i32
    %sign3A = arith.constant 0 : i32
    %sign3A_3 = arith.cmpi sgt, %mul3A_2, %sign3A : i32
    %sign3A_4 = arith.extui %sign3A_3 : i1 to i32
    %sign3A_5 = arith.constant 0 : i32
    %sign3A_6 = arith.cmpi slt, %mul3A_2, %sign3A_5 : i32
    %sign3A_7 = arith.extui %sign3A_6 : i1 to i32
    %sign3A_8 = arith.subi %sign3A_4, %sign3A_7 : i32
    %sign3A_9 = arith.constant 0 : i32
    %sign3A_10 = arith.cmpi sgt, %jit3A, %sign3A_9 : i32
    %sign3A_11 = arith.extui %sign3A_10 : i1 to i32
    %sign3A_12 = arith.constant 0 : i32
    %sign3A_13 = arith.cmpi slt, %jit3A, %sign3A_12 : i32
    %sign3A_14 = arith.extui %sign3A_13 : i1 to i32
    %sign3A_15 = arith.subi %sign3A_11, %sign3A_14 : i32
    %ne3A = arith.cmpi ne, %sign3A_8, %sign3A_15 : i32
    %rem3A = arith.remsi %mul3A_2, %jit3A : i32
    %ne3A_16 = arith.constant 0 : i32
    %ne3A_17 = arith.cmpi ne, %rem3A, %ne3A_16 : i32
    %and3A = arith.andi %ne3A, %ne3A_17 : i1
    %sub3A = arith.constant 1 : i32
    %sub3A_18 = arith.subi %div3A, %sub3A : i32
    %select_n3A = arith.select %and3A, %sub3A_18, %div3A : i32
    %jit3A_19 = arith.constant 8 : i32
    %eq3A = arith.constant 0 : i32
    %eq3A_20 = arith.cmpi eq, %jit3A_19, %eq3A : i32
    %jit3A_21 = arith.constant 1 : i32
    %select_n3A_22 = arith.select %eq3A_20, %jit3A_21, %jit3A_19 : i32
    %rem3A_23 = arith.remsi %mul3A_2, %select_n3A_22 : i32
    %ne3A_24 = arith.constant 0 : i32
    %ne3A_25 = arith.cmpi ne, %rem3A_23, %ne3A_24 : i32
    %lt3A = arith.constant 0 : i32
    %lt3A_26 = arith.cmpi slt, %rem3A_23, %lt3A : i32
    %lt3A_27 = arith.constant 0 : i32
    %lt3A_28 = arith.cmpi slt, %select_n3A_22, %lt3A_27 : i32
    %ne3A_29 = arith.xori %lt3A_26, %lt3A_28 : i1
    %and3A_30 = arith.andi %ne3A_29, %ne3A_25 : i1
    %add3A_31 = arith.addi %rem3A_23, %select_n3A_22 : i32
    %select_n3A_32 = arith.select %and3A_30, %add3A_31, %rem3A_23 : i32
    %mul3A_33 = arith.constant 2048 : i32
    %mul3A_34 = arith.muli %select_n3A_32, %mul3A_33 : i32
    %dma_start3A = tpu.memref_slice %arg2[%select_n3A, %mul3A_34] : memref<200x16384xi32, #tpu.memory_space<hbm>> -> memref<1x2048xi32, #tpu.memory_space<hbm>>
    %dma_start3A_35 = tpu.memref_slice %arg2[%select_n3A, %mul3A_34] : memref<200x16384xi32, #tpu.memory_space<hbm>> -> memref<1x2048xi32, #tpu.memory_space<hbm>>
    tpu.enqueue_dma source(%dma_start3A_35 : memref<1x2048xi32, #tpu.memory_space<hbm>>) target(%arg6 : memref<1x2048xi32, #tpu.memory_space<vmem>>) target_semaphore(%arg12 : memref<!tpu.dma_semaphore, #tpu.memory_space<semaphore_mem>>)
    %scan3A = arith.constant 0 : i32
    %scan3A_36 = arith.constant 0 : i32
    %scan3A_37 = arith.constant 8 : i32
    %scan3A_38 = arith.addi %scan3A_36, %scan3A_37 : i32
    %scan3A_39 = arith.constant 1 : i32
    scf.for %scan3A_142 = %scan3A_36 to %scan3A_38 step %scan3A_39  : i32 {
      %mul3A_143 = arith.constant 16 : i32
      %mul3A_144 = arith.muli %scan3A_142, %mul3A_143 : i32
      %add3A_145 = arith.addi %mul3A_144, %arg1 : i32
      %lt3A_146 = arith.constant 122 : i32
      %lt3A_147 = arith.cmpi slt, %add3A_145, %lt3A_146 : i32
      %convert_element_type3A = arith.extui %lt3A_147 : i1 to i32
      %cond3A = arith.constant 0 : i32
      %cond3A_148 = arith.cmpi ne, %convert_element_type3A, %cond3A : i32
      scf.if %cond3A_148 {
        %mul3A_154 = arith.constant 8192 : i32
        %mul3A_155 = arith.muli %add3A_145, %mul3A_154 : i32
        %run_scoped3A = arith.constant 0 : i32
        "tpu.region"() ({
          %run_scoped3A_162 = tpu.sem_alloc : memref<!tpu.dma_semaphore, #tpu.memory_space<semaphore_mem>>
          %dma_start3A_163 = arith.constant 0 : i32
          %dma_start3A_164 = tpu.memref_slice %arg5[%dma_start3A_163] : memref<8192xf32, #tpu.memory_space<vmem>> -> memref<8192xf32, #tpu.memory_space<vmem>>
          %dma_start3A_165 = tpu.memref_slice %arg3[%run_scoped3A, %mul3A_155] : memref<1x1000000xf32, #tpu.memory_space<hbm>> -> memref<1x8192xf32, #tpu.memory_space<hbm>>
          %dma_start3A_166 = tpu.memref_squeeze %dma_start3A_165 : memref<1x8192xf32, #tpu.memory_space<hbm>> -> memref<8192xf32, #tpu.memory_space<hbm>>
          %dma_start3A_167 = arith.constant 0 : i32
          %dma_start3A_168 = tpu.memref_slice %arg5[%dma_start3A_167] : memref<8192xf32, #tpu.memory_space<vmem>> -> memref<8192xf32, #tpu.memory_space<vmem>>
          %dma_start3A_169 = tpu.memref_slice %arg3[%run_scoped3A, %mul3A_155] : memref<1x1000000xf32, #tpu.memory_space<hbm>> -> memref<1x8192xf32, #tpu.memory_space<hbm>>
          %dma_start3A_170 = tpu.memref_squeeze %dma_start3A_169 : memref<1x8192xf32, #tpu.memory_space<hbm>> -> memref<8192xf32, #tpu.memory_space<hbm>>
          tpu.enqueue_dma source(%dma_start3A_170 : memref<8192xf32, #tpu.memory_space<hbm>>) target(%dma_start3A_168 : memref<8192xf32, #tpu.memory_space<vmem>>) target_semaphore(%run_scoped3A_162 : memref<!tpu.dma_semaphore, #tpu.memory_space<semaphore_mem>>)
          %dma_wait3A_171 = arith.constant 0 : i32
          %dma_wait3A_172 = tpu.memref_slice %arg5[%dma_wait3A_171] : memref<8192xf32, #tpu.memory_space<vmem>> -> memref<8192xf32, #tpu.memory_space<vmem>>
          %dma_wait3A_173 = tpu.memref_slice %arg3[%run_scoped3A, %mul3A_155] : memref<1x1000000xf32, #tpu.memory_space<hbm>> -> memref<1x8192xf32, #tpu.memory_space<hbm>>
          %dma_wait3A_174 = tpu.memref_squeeze %dma_wait3A_173 : memref<1x8192xf32, #tpu.memory_space<hbm>> -> memref<8192xf32, #tpu.memory_space<hbm>>
          %dma_wait3A_175 = arith.constant 0 : i32
          %dma_wait3A_176 = tpu.memref_slice %arg5[%dma_wait3A_175] : memref<8192xf32, #tpu.memory_space<vmem>> -> memref<8192xf32, #tpu.memory_space<vmem>>
          %dma_wait3A_177 = tpu.memref_slice %arg3[%run_scoped3A, %mul3A_155] : memref<1x1000000xf32, #tpu.memory_space<hbm>> -> memref<1x8192xf32, #tpu.memory_space<hbm>>
          %dma_wait3A_178 = tpu.memref_squeeze %dma_wait3A_177 : memref<1x8192xf32, #tpu.memory_space<hbm>> -> memref<8192xf32, #tpu.memory_space<hbm>>
          tpu.wait_dma2 semaphore(%run_scoped3A_162 : memref<!tpu.dma_semaphore, #tpu.memory_space<semaphore_mem>>) src(%dma_wait3A_178 : memref<8192xf32, #tpu.memory_space<hbm>>) dst(%dma_wait3A_176 : memref<8192xf32, #tpu.memory_space<vmem>>)
          tpu.yield
        }) : () -> ()
        %scan3A_156 = arith.constant 0 : i32
        %scan3A_157 = arith.constant 0 : i32
        %scan3A_158 = arith.constant 512 : i32
        %scan3A_159 = arith.addi %scan3A_157, %scan3A_158 : i32
        %scan3A_160 = arith.constant 1 : i32
        scf.for %scan3A_162 = %scan3A_157 to %scan3A_159 step %scan3A_160  : i32 {
          %mul3A_163 = arith.constant 16 : i32
          %mul3A_164 = arith.muli %scan3A_162, %mul3A_163 : i32
          %multiple_of3A = tpu.assume_multiple %mul3A_164, 16 : i32
          %get3A = arith.index_cast %multiple_of3A : i32 to index
          %get3A_165 = tpu.vector_load %arg5[%get3A] {strides = array<i32>} : memref<8192xf32, #tpu.memory_space<vmem>>, vector<16xf32>,
          %get3A_166 = vector.shape_cast %get3A_165 : vector<16xf32> to vector<16xf32>
          %exp3A = math.exp %get3A_166 : vector<16xf32>
          %swap3A = arith.index_cast %multiple_of3A : i32 to index
          %swap3A_167 = tpu.vector_load %arg5[%swap3A] {strides = array<i32>} : memref<8192xf32, #tpu.memory_space<vmem>>, vector<16xf32>,
          %swap3A_168 = vector.shape_cast %swap3A_167 : vector<16xf32> to vector<16xf32>
          %swap3A_169 = vector.shape_cast %exp3A : vector<16xf32> to vector<16xf32>
          tpu.vector_store %arg5[%swap3A], %swap3A_169 {strides = array<i32>} : memref<8192xf32, #tpu.memory_space<vmem>>, vector<16xf32>,
        }
        %scan3A_161 = arith.constant 512 : i32
        "tpu.region"() ({
          %run_scoped3A_162 = tpu.sem_alloc : memref<!tpu.dma_semaphore, #tpu.memory_space<semaphore_mem>>
          %dma_start3A_163 = arith.constant 0 : i32
          %dma_start3A_164 = tpu.memref_slice %arg5[%dma_start3A_163] : memref<8192xf32, #tpu.memory_space<vmem>> -> memref<8192xf32, #tpu.memory_space<vmem>>
          %dma_start3A_165 = tpu.memref_slice %arg10[%mul3A_155] : memref<1000000xf32, #tpu.memory_space<vmem_shared>> -> memref<8192xf32, #tpu.memory_space<vmem_shared>>
          %dma_start3A_166 = tpu.memref_slice %arg10[%mul3A_155] : memref<1000000xf32, #tpu.memory_space<vmem_shared>> -> memref<8192xf32, #tpu.memory_space<vmem_shared>>
          %dma_start3A_167 = arith.constant 0 : i32
          %dma_start3A_168 = tpu.memref_slice %arg5[%dma_start3A_167] : memref<8192xf32, #tpu.memory_space<vmem>> -> memref<8192xf32, #tpu.memory_space<vmem>>
          tpu.enqueue_dma source(%dma_start3A_168 : memref<8192xf32, #tpu.memory_space<vmem>>) target(%dma_start3A_166 : memref<8192xf32, #tpu.memory_space<vmem_shared>>) target_semaphore(%run_scoped3A_162 : memref<!tpu.dma_semaphore, #tpu.memory_space<semaphore_mem>>)
          %dma_wait3A_169 = arith.constant 0 : i32
          %dma_wait3A_170 = tpu.memref_slice %arg5[%dma_wait3A_169] : memref<8192xf32, #tpu.memory_space<vmem>> -> memref<8192xf32, #tpu.memory_space<vmem>>
          %dma_wait3A_171 = tpu.memref_slice %arg10[%mul3A_155] : memref<1000000xf32, #tpu.memory_space<vmem_shared>> -> memref<8192xf32, #tpu.memory_space<vmem_shared>>
          %dma_wait3A_172 = tpu.memref_slice %arg10[%mul3A_155] : memref<1000000xf32, #tpu.memory_space<vmem_shared>> -> memref<8192xf32, #tpu.memory_space<vmem_shared>>
          %dma_wait3A_173 = arith.constant 0 : i32
          %dma_wait3A_174 = tpu.memref_slice %arg5[%dma_wait3A_173] : memref<8192xf32, #tpu.memory_space<vmem>> -> memref<8192xf32, #tpu.memory_space<vmem>>
          tpu.wait_dma2 semaphore(%run_scoped3A_162 : memref<!tpu.dma_semaphore, #tpu.memory_space<semaphore_mem>>) src(%dma_wait3A_174 : memref<8192xf32, #tpu.memory_space<vmem>>) dst(%dma_wait3A_172 : memref<8192xf32, #tpu.memory_space<vmem_shared>>)
          tpu.yield
        }) : () -> ()
      } else {
      }
      %eq3A_149 = arith.constant 122 : i32
      %eq3A_150 = arith.cmpi eq, %add3A_145, %eq3A_149 : i32
      %convert_element_type3A_151 = arith.extui %eq3A_150 : i1 to i32
      %cond3A_152 = arith.constant 0 : i32
      %cond3A_153 = arith.cmpi ne, %convert_element_type3A_151, %cond3A_152 : i32
      scf.if %cond3A_153 {
        %run_scoped3A = arith.constant 0 : i32
        "tpu.region"() ({
          %run_scoped3A_160 = tpu.sem_alloc : memref<!tpu.dma_semaphore, #tpu.memory_space<semaphore_mem>>
          %dma_start3A_161 = arith.constant 0 : i32
          %dma_start3A_162 = tpu.memref_slice %arg5[%dma_start3A_161] : memref<8192xf32, #tpu.memory_space<vmem>> -> memref<576xf32, #tpu.memory_space<vmem>>
          %dma_start3A_163 = arith.constant 999424 : i32
          %dma_start3A_164 = tpu.memref_slice %arg3[%run_scoped3A, %dma_start3A_163] : memref<1x1000000xf32, #tpu.memory_space<hbm>> -> memref<1x576xf32, #tpu.memory_space<hbm>>
          %dma_start3A_165 = tpu.memref_squeeze %dma_start3A_164 : memref<1x576xf32, #tpu.memory_space<hbm>> -> memref<576xf32, #tpu.memory_space<hbm>>
          %dma_start3A_166 = arith.constant 0 : i32
          %dma_start3A_167 = tpu.memref_slice %arg5[%dma_start3A_166] : memref<8192xf32, #tpu.memory_space<vmem>> -> memref<576xf32, #tpu.memory_space<vmem>>
          %dma_start3A_168 = arith.constant 999424 : i32
          %dma_start3A_169 = tpu.memref_slice %arg3[%run_scoped3A, %dma_start3A_168] : memref<1x1000000xf32, #tpu.memory_space<hbm>> -> memref<1x576xf32, #tpu.memory_space<hbm>>
          %dma_start3A_170 = tpu.memref_squeeze %dma_start3A_169 : memref<1x576xf32, #tpu.memory_space<hbm>> -> memref<576xf32, #tpu.memory_space<hbm>>
          tpu.enqueue_dma source(%dma_start3A_170 : memref<576xf32, #tpu.memory_space<hbm>>) target(%dma_start3A_167 : memref<576xf32, #tpu.memory_space<vmem>>) target_semaphore(%run_scoped3A_160 : memref<!tpu.dma_semaphore, #tpu.memory_space<semaphore_mem>>)
          %dma_wait3A_171 = arith.constant 0 : i32
          %dma_wait3A_172 = tpu.memref_slice %arg5[%dma_wait3A_171] : memref<8192xf32, #tpu.memory_space<vmem>> -> memref<576xf32, #tpu.memory_space<vmem>>
          %dma_wait3A_173 = arith.constant 999424 : i32
          %dma_wait3A_174 = tpu.memref_slice %arg3[%run_scoped3A, %dma_wait3A_173] : memref<1x1000000xf32, #tpu.memory_space<hbm>> -> memref<1x576xf32, #tpu.memory_space<hbm>>
          %dma_wait3A_175 = tpu.memref_squeeze %dma_wait3A_174 : memref<1x576xf32, #tpu.memory_space<hbm>> -> memref<576xf32, #tpu.memory_space<hbm>>
          %dma_wait3A_176 = arith.constant 0 : i32
          %dma_wait3A_177 = tpu.memref_slice %arg5[%dma_wait3A_176] : memref<8192xf32, #tpu.memory_space<vmem>> -> memref<576xf32, #tpu.memory_space<vmem>>
          %dma_wait3A_178 = arith.constant 999424 : i32
          %dma_wait3A_179 = tpu.memref_slice %arg3[%run_scoped3A, %dma_wait3A_178] : memref<1x1000000xf32, #tpu.memory_space<hbm>> -> memref<1x576xf32, #tpu.memory_space<hbm>>
          %dma_wait3A_180 = tpu.memref_squeeze %dma_wait3A_179 : memref<1x576xf32, #tpu.memory_space<hbm>> -> memref<576xf32, #tpu.memory_space<hbm>>
          tpu.wait_dma2 semaphore(%run_scoped3A_160 : memref<!tpu.dma_semaphore, #tpu.memory_space<semaphore_mem>>) src(%dma_wait3A_180 : memref<576xf32, #tpu.memory_space<hbm>>) dst(%dma_wait3A_177 : memref<576xf32, #tpu.memory_space<vmem>>)
          tpu.yield
        }) : () -> ()
        %scan3A_154 = arith.constant 0 : i32
        %scan3A_155 = arith.constant 0 : i32
        %scan3A_156 = arith.constant 36 : i32
        %scan3A_157 = arith.addi %scan3A_155, %scan3A_156 : i32
        %scan3A_158 = arith.constant 1 : i32
        scf.for %scan3A_160 = %scan3A_155 to %scan3A_157 step %scan3A_158  : i32 {
          %mul3A_161 = arith.constant 16 : i32
          %mul3A_162 = arith.muli %scan3A_160, %mul3A_161 : i32
          %multiple_of3A = tpu.assume_multiple %mul3A_162, 16 : i32
          %get3A = arith.index_cast %multiple_of3A : i32 to index
          %get3A_163 = tpu.vector_load %arg5[%get3A] {strides = array<i32>} : memref<8192xf32, #tpu.memory_space<vmem>>, vector<16xf32>,
          %get3A_164 = vector.shape_cast %get3A_163 : vector<16xf32> to vector<16xf32>
          %exp3A = math.exp %get3A_164 : vector<16xf32>
          %swap3A = arith.index_cast %multiple_of3A : i32 to index
          %swap3A_165 = tpu.vector_load %arg5[%swap3A] {strides = array<i32>} : memref<8192xf32, #tpu.memory_space<vmem>>, vector<16xf32>,
          %swap3A_166 = vector.shape_cast %swap3A_165 : vector<16xf32> to vector<16xf32>
          %swap3A_167 = vector.shape_cast %exp3A : vector<16xf32> to vector<16xf32>
          tpu.vector_store %arg5[%swap3A], %swap3A_167 {strides = array<i32>} : memref<8192xf32, #tpu.memory_space<vmem>>, vector<16xf32>,
        }
        %scan3A_159 = arith.constant 36 : i32
        "tpu.region"() ({
          %run_scoped3A_160 = tpu.sem_alloc : memref<!tpu.dma_semaphore, #tpu.memory_space<semaphore_mem>>
          %dma_start3A_161 = arith.constant 0 : i32
          %dma_start3A_162 = tpu.memref_slice %arg5[%dma_start3A_161] : memref<8192xf32, #tpu.memory_space<vmem>> -> memref<576xf32, #tpu.memory_space<vmem>>
          %dma_start3A_163 = arith.constant 999424 : i32
          %dma_start3A_164 = tpu.memref_slice %arg10[%dma_start3A_163] : memref<1000000xf32, #tpu.memory_space<vmem_shared>> -> memref<576xf32, #tpu.memory_space<vmem_shared>>
          %dma_start3A_165 = arith.constant 999424 : i32
          %dma_start3A_166 = tpu.memref_slice %arg10[%dma_start3A_165] : memref<1000000xf32, #tpu.memory_space<vmem_shared>> -> memref<576xf32, #tpu.memory_space<vmem_shared>>
          %dma_start3A_167 = arith.constant 0 : i32
          %dma_start3A_168 = tpu.memref_slice %arg5[%dma_start3A_167] : memref<8192xf32, #tpu.memory_space<vmem>> -> memref<576xf32, #tpu.memory_space<vmem>>
          tpu.enqueue_dma source(%dma_start3A_168 : memref<576xf32, #tpu.memory_space<vmem>>) target(%dma_start3A_166 : memref<576xf32, #tpu.memory_space<vmem_shared>>) target_semaphore(%run_scoped3A_160 : memref<!tpu.dma_semaphore, #tpu.memory_space<semaphore_mem>>)
          %dma_wait3A_169 = arith.constant 0 : i32
          %dma_wait3A_170 = tpu.memref_slice %arg5[%dma_wait3A_169] : memref<8192xf32, #tpu.memory_space<vmem>> -> memref<576xf32, #tpu.memory_space<vmem>>
          %dma_wait3A_171 = arith.constant 999424 : i32
          %dma_wait3A_172 = tpu.memref_slice %arg10[%dma_wait3A_171] : memref<1000000xf32, #tpu.memory_space<vmem_shared>> -> memref<576xf32, #tpu.memory_space<vmem_shared>>
          %dma_wait3A_173 = arith.constant 999424 : i32
          %dma_wait3A_174 = tpu.memref_slice %arg10[%dma_wait3A_173] : memref<1000000xf32, #tpu.memory_space<vmem_shared>> -> memref<576xf32, #tpu.memory_space<vmem_shared>>
          %dma_wait3A_175 = arith.constant 0 : i32
          %dma_wait3A_176 = tpu.memref_slice %arg5[%dma_wait3A_175] : memref<8192xf32, #tpu.memory_space<vmem>> -> memref<576xf32, #tpu.memory_space<vmem>>
          tpu.wait_dma2 semaphore(%run_scoped3A_160 : memref<!tpu.dma_semaphore, #tpu.memory_space<semaphore_mem>>) src(%dma_wait3A_176 : memref<576xf32, #tpu.memory_space<vmem>>) dst(%dma_wait3A_174 : memref<576xf32, #tpu.memory_space<vmem_shared>>)
          tpu.yield
        }) : () -> ()
      } else {
      }
    }
    %scan3A_40 = arith.constant 8 : i32
    %barrier3A = arith.constant 0 : index
    tpu.barrier barrier_id(%barrier3A)
    %scan3A_41 = arith.constant 0 : i32
    %scan3A_42 = arith.constant 0 : i32
    %scan3A_43 = arith.constant 25 : i32
    %scan3A_44 = arith.addi %scan3A_42, %scan3A_43 : i32
    %scan3A_45 = arith.constant 1 : i32
    scf.for %scan3A_142 = %scan3A_42 to %scan3A_44 step %scan3A_45  : i32 {
      %mul3A_143 = arith.constant 2 : i32
      %mul3A_144 = arith.muli %mul3A_143, %scan3A_142 : i32
      %add3A_145 = arith.addi %mul3A_2, %mul3A_144 : i32
      %add3A_146 = arith.constant 1 : i32
      %add3A_147 = arith.addi %add3A_145, %add3A_146 : i32
      %sub3A_148 = arith.constant 2 : i32
      %sub3A_149 = arith.subi %add3A_145, %sub3A_148 : i32
      %jit3A_150 = arith.constant 8 : i32
      %div3A_151 = arith.divsi %add3A_145, %jit3A_150 : i32
      %sign3A_152 = arith.constant 0 : i32
      %sign3A_153 = arith.cmpi sgt, %add3A_145, %sign3A_152 : i32
      %sign3A_154 = arith.extui %sign3A_153 : i1 to i32
      %sign3A_155 = arith.constant 0 : i32
      %sign3A_156 = arith.cmpi slt, %add3A_145, %sign3A_155 : i32
      %sign3A_157 = arith.extui %sign3A_156 : i1 to i32
      %sign3A_158 = arith.subi %sign3A_154, %sign3A_157 : i32
      %sign3A_159 = arith.constant 0 : i32
      %sign3A_160 = arith.cmpi sgt, %jit3A_150, %sign3A_159 : i32
      %sign3A_161 = arith.extui %sign3A_160 : i1 to i32
      %sign3A_162 = arith.constant 0 : i32
      %sign3A_163 = arith.cmpi slt, %jit3A_150, %sign3A_162 : i32
      %sign3A_164 = arith.extui %sign3A_163 : i1 to i32
      %sign3A_165 = arith.subi %sign3A_161, %sign3A_164 : i32
      %ne3A_166 = arith.cmpi ne, %sign3A_158, %sign3A_165 : i32
      %rem3A_167 = arith.remsi %add3A_145, %jit3A_150 : i32
      %ne3A_168 = arith.constant 0 : i32
      %ne3A_169 = arith.cmpi ne, %rem3A_167, %ne3A_168 : i32
      %and3A_170 = arith.andi %ne3A_166, %ne3A_169 : i1
      %sub3A_171 = arith.constant 1 : i32
      %sub3A_172 = arith.subi %div3A_151, %sub3A_171 : i32
      %select_n3A_173 = arith.select %and3A_170, %sub3A_172, %div3A_151 : i32
      %jit3A_174 = arith.constant 8 : i32
      %eq3A_175 = arith.constant 0 : i32
      %eq3A_176 = arith.cmpi eq, %jit3A_174, %eq3A_175 : i32
      %jit3A_177 = arith.constant 1 : i32
      %select_n3A_178 = arith.select %eq3A_176, %jit3A_177, %jit3A_174 : i32
      %rem3A_179 = arith.remsi %add3A_145, %select_n3A_178 : i32
      %ne3A_180 = arith.constant 0 : i32
      %ne3A_181 = arith.cmpi ne, %rem3A_179, %ne3A_180 : i32
      %lt3A_182 = arith.constant 0 : i32
      %lt3A_183 = arith.cmpi slt, %rem3A_179, %lt3A_182 : i32
      %lt3A_184 = arith.constant 0 : i32
      %lt3A_185 = arith.cmpi slt, %select_n3A_178, %lt3A_184 : i32
      %ne3A_186 = arith.xori %lt3A_183, %lt3A_185 : i1
      %and3A_187 = arith.andi %ne3A_186, %ne3A_181 : i1
      %add3A_188 = arith.addi %rem3A_179, %select_n3A_178 : i32
      %select_n3A_189 = arith.select %and3A_187, %add3A_188, %rem3A_179 : i32
      %mul3A_190 = arith.constant 2048 : i32
      %mul3A_191 = arith.muli %select_n3A_189, %mul3A_190 : i32
      %dma_wait3A_192 = tpu.memref_slice %arg2[%select_n3A_173, %mul3A_191] : memref<200x16384xi32, #tpu.memory_space<hbm>> -> memref<1x2048xi32, #tpu.memory_space<hbm>>
      %dma_wait3A_193 = tpu.memref_slice %arg2[%select_n3A_173, %mul3A_191] : memref<200x16384xi32, #tpu.memory_space<hbm>> -> memref<1x2048xi32, #tpu.memory_space<hbm>>
      tpu.wait_dma2 semaphore(%arg12 : memref<!tpu.dma_semaphore, #tpu.memory_space<semaphore_mem>>) src(%dma_wait3A_193 : memref<1x2048xi32, #tpu.memory_space<hbm>>) dst(%arg6 : memref<1x2048xi32, #tpu.memory_space<vmem>>)
      %add3A_194 = arith.constant 50 : i32
      %add3A_195 = arith.addi %mul3A_2, %add3A_194 : i32
      %lt3A_196 = arith.cmpi slt, %add3A_147, %add3A_195 : i32
      %convert_element_type3A = arith.extui %lt3A_196 : i1 to i32
      %cond3A = arith.constant 0 : i32
      %cond3A_197 = arith.cmpi ne, %convert_element_type3A, %cond3A : i32
      scf.if %cond3A_197 {
        %jit3A_391 = arith.constant 8 : i32
        %div3A_392 = arith.divsi %add3A_147, %jit3A_391 : i32
        %sign3A_393 = arith.constant 0 : i32
        %sign3A_394 = arith.cmpi sgt, %add3A_147, %sign3A_393 : i32
        %sign3A_395 = arith.extui %sign3A_394 : i1 to i32
        %sign3A_396 = arith.constant 0 : i32
        %sign3A_397 = arith.cmpi slt, %add3A_147, %sign3A_396 : i32
        %sign3A_398 = arith.extui %sign3A_397 : i1 to i32
        %sign3A_399 = arith.subi %sign3A_395, %sign3A_398 : i32
        %sign3A_400 = arith.constant 0 : i32
        %sign3A_401 = arith.cmpi sgt, %jit3A_391, %sign3A_400 : i32
        %sign3A_402 = arith.extui %sign3A_401 : i1 to i32
        %sign3A_403 = arith.constant 0 : i32
        %sign3A_404 = arith.cmpi slt, %jit3A_391, %sign3A_403 : i32
        %sign3A_405 = arith.extui %sign3A_404 : i1 to i32
        %sign3A_406 = arith.subi %sign3A_402, %sign3A_405 : i32
        %ne3A_407 = arith.cmpi ne, %sign3A_399, %sign3A_406 : i32
        %rem3A_408 = arith.remsi %add3A_147, %jit3A_391 : i32
        %ne3A_409 = arith.constant 0 : i32
        %ne3A_410 = arith.cmpi ne, %rem3A_408, %ne3A_409 : i32
        %and3A_411 = arith.andi %ne3A_407, %ne3A_410 : i1
        %sub3A_412 = arith.constant 1 : i32
        %sub3A_413 = arith.subi %div3A_392, %sub3A_412 : i32
        %select_n3A_414 = arith.select %and3A_411, %sub3A_413, %div3A_392 : i32
        %jit3A_415 = arith.constant 8 : i32
        %eq3A_416 = arith.constant 0 : i32
        %eq3A_417 = arith.cmpi eq, %jit3A_415, %eq3A_416 : i32
        %jit3A_418 = arith.constant 1 : i32
        %select_n3A_419 = arith.select %eq3A_417, %jit3A_418, %jit3A_415 : i32
        %rem3A_420 = arith.remsi %add3A_147, %select_n3A_419 : i32
        %ne3A_421 = arith.constant 0 : i32
        %ne3A_422 = arith.cmpi ne, %rem3A_420, %ne3A_421 : i32
        %lt3A_423 = arith.constant 0 : i32
        %lt3A_424 = arith.cmpi slt, %rem3A_420, %lt3A_423 : i32
        %lt3A_425 = arith.constant 0 : i32
        %lt3A_426 = arith.cmpi slt, %select_n3A_419, %lt3A_425 : i32
        %ne3A_427 = arith.xori %lt3A_424, %lt3A_426 : i1
        %and3A_428 = arith.andi %ne3A_427, %ne3A_422 : i1
        %add3A_429 = arith.addi %rem3A_420, %select_n3A_419 : i32
        %select_n3A_430 = arith.select %and3A_428, %add3A_429, %rem3A_420 : i32
        %mul3A_431 = arith.constant 2048 : i32
        %mul3A_432 = arith.muli %select_n3A_430, %mul3A_431 : i32
        %dma_start3A_433 = tpu.memref_slice %arg2[%select_n3A_414, %mul3A_432] : memref<200x16384xi32, #tpu.memory_space<hbm>> -> memref<1x2048xi32, #tpu.memory_space<hbm>>
        %dma_start3A_434 = tpu.memref_slice %arg2[%select_n3A_414, %mul3A_432] : memref<200x16384xi32, #tpu.memory_space<hbm>> -> memref<1x2048xi32, #tpu.memory_space<hbm>>
        tpu.enqueue_dma source(%dma_start3A_434 : memref<1x2048xi32, #tpu.memory_space<hbm>>) target(%arg7 : memref<1x2048xi32, #tpu.memory_space<vmem>>) target_semaphore(%arg13 : memref<!tpu.dma_semaphore, #tpu.memory_space<semaphore_mem>>)
      } else {
      }
      %gt3A = arith.constant 0 : i32
      %gt3A_198 = arith.cmpi sgt, %scan3A_142, %gt3A : i32
      %convert_element_type3A_199 = arith.extui %gt3A_198 : i1 to i32
      %cond3A_200 = arith.constant 0 : i32
      %cond3A_201 = arith.cmpi ne, %convert_element_type3A_199, %cond3A_200 : i32
      scf.if %cond3A_201 {
        %jit3A_391 = arith.constant 8 : i32
        %div3A_392 = arith.divsi %sub3A_149, %jit3A_391 : i32
        %sign3A_393 = arith.constant 0 : i32
        %sign3A_394 = arith.cmpi sgt, %sub3A_149, %sign3A_393 : i32
        %sign3A_395 = arith.extui %sign3A_394 : i1 to i32
        %sign3A_396 = arith.constant 0 : i32
        %sign3A_397 = arith.cmpi slt, %sub3A_149, %sign3A_396 : i32
        %sign3A_398 = arith.extui %sign3A_397 : i1 to i32
        %sign3A_399 = arith.subi %sign3A_395, %sign3A_398 : i32
        %sign3A_400 = arith.constant 0 : i32
        %sign3A_401 = arith.cmpi sgt, %jit3A_391, %sign3A_400 : i32
        %sign3A_402 = arith.extui %sign3A_401 : i1 to i32
        %sign3A_403 = arith.constant 0 : i32
        %sign3A_404 = arith.cmpi slt, %jit3A_391, %sign3A_403 : i32
        %sign3A_405 = arith.extui %sign3A_404 : i1 to i32
        %sign3A_406 = arith.subi %sign3A_402, %sign3A_405 : i32
        %ne3A_407 = arith.cmpi ne, %sign3A_399, %sign3A_406 : i32
        %rem3A_408 = arith.remsi %sub3A_149, %jit3A_391 : i32
        %ne3A_409 = arith.constant 0 : i32
        %ne3A_410 = arith.cmpi ne, %rem3A_408, %ne3A_409 : i32
        %and3A_411 = arith.andi %ne3A_407, %ne3A_410 : i1
        %sub3A_412 = arith.constant 1 : i32
        %sub3A_413 = arith.subi %div3A_392, %sub3A_412 : i32
        %select_n3A_414 = arith.select %and3A_411, %sub3A_413, %div3A_392 : i32
        %jit3A_415 = arith.constant 8 : i32
        %eq3A_416 = arith.constant 0 : i32
        %eq3A_417 = arith.cmpi eq, %jit3A_415, %eq3A_416 : i32
        %jit3A_418 = arith.constant 1 : i32
        %select_n3A_419 = arith.select %eq3A_417, %jit3A_418, %jit3A_415 : i32
        %rem3A_420 = arith.remsi %sub3A_149, %select_n3A_419 : i32
        %ne3A_421 = arith.constant 0 : i32
        %ne3A_422 = arith.cmpi ne, %rem3A_420, %ne3A_421 : i32
        %lt3A_423 = arith.constant 0 : i32
        %lt3A_424 = arith.cmpi slt, %rem3A_420, %lt3A_423 : i32
        %lt3A_425 = arith.constant 0 : i32
        %lt3A_426 = arith.cmpi slt, %select_n3A_419, %lt3A_425 : i32
        %ne3A_427 = arith.xori %lt3A_424, %lt3A_426 : i1
        %and3A_428 = arith.andi %ne3A_427, %ne3A_422 : i1
        %add3A_429 = arith.addi %rem3A_420, %select_n3A_419 : i32
        %select_n3A_430 = arith.select %and3A_428, %add3A_429, %rem3A_420 : i32
        %mul3A_431 = arith.constant 2048 : i32
        %mul3A_432 = arith.muli %select_n3A_430, %mul3A_431 : i32
        %dma_wait3A_433 = tpu.memref_slice %arg4[%select_n3A_414, %mul3A_432] : memref<200x16384xf32, #tpu.memory_space<hbm>> -> memref<1x2048xf32, #tpu.memory_space<hbm>>
        %dma_wait3A_434 = tpu.memref_slice %arg4[%select_n3A_414, %mul3A_432] : memref<200x16384xf32, #tpu.memory_space<hbm>> -> memref<1x2048xf32, #tpu.memory_space<hbm>>
        tpu.wait_dma2 semaphore(%arg14 : memref<!tpu.dma_semaphore, #tpu.memory_space<semaphore_mem>>) src(%arg8 : memref<1x2048xf32, #tpu.memory_space<vmem>>) dst(%dma_wait3A_434 : memref<1x2048xf32, #tpu.memory_space<hbm>>)
      } else {
      }
      %dma_start3A_202 = arith.constant 0 : i32
      %dma_start3A_203 = arith.constant 0 : i32
      %dma_start3A_204 = arith.constant 0 : i32
      %dma_start3A_205 = tpu.memref_slice %arg8[%dma_start3A_203, %dma_start3A_204] : memref<1x2048xf32, #tpu.memory_space<vmem>> -> memref<1x2048xf32, #tpu.memory_space<vmem>>
      %dma_start3A_206 = tpu.memref_squeeze %dma_start3A_205 : memref<1x2048xf32, #tpu.memory_space<vmem>> -> memref<2048xf32, #tpu.memory_space<vmem>>
      %dma_start3A_207 = arith.constant 0 : i32
      %dma_start3A_208 = tpu.memref_slice %arg6[%dma_start3A_202, %dma_start3A_207] : memref<1x2048xi32, #tpu.memory_space<vmem>> -> memref<1x2048xi32, #tpu.memory_space<vmem>>
      %dma_start3A_209 = tpu.memref_squeeze %dma_start3A_208 : memref<1x2048xi32, #tpu.memory_space<vmem>> -> memref<2048xi32, #tpu.memory_space<vmem>>
      %dma_start3A_210 = arith.constant 0 : i32
      %dma_start3A_211 = tpu.memref_slice %arg10[%dma_start3A_210] : memref<1000000xf32, #tpu.memory_space<vmem_shared>> -> memref<1000000xf32, #tpu.memory_space<vmem_shared>>
      tpu.enqueue_indirect_dma source(%dma_start3A_211 : memref<1000000xf32, #tpu.memory_space<vmem_shared>>) target(%dma_start3A_206 : memref<2048xf32, #tpu.memory_space<vmem>>) offsets(%dma_start3A_209 : memref<2048xi32, #tpu.memory_space<vmem>>) semaphore(%arg11 : memref<!tpu.dma_semaphore, #tpu.memory_space<semaphore_mem>>)
      %dma_wait3A_212 = arith.constant 0 : i32
      %dma_wait3A_213 = arith.constant 0 : i32
      %dma_wait3A_214 = arith.constant 0 : i32
      %dma_wait3A_215 = tpu.memref_slice %arg8[%dma_wait3A_213, %dma_wait3A_214] : memref<1x2048xf32, #tpu.memory_space<vmem>> -> memref<1x2048xf32, #tpu.memory_space<vmem>>
      %dma_wait3A_216 = tpu.memref_squeeze %dma_wait3A_215 : memref<1x2048xf32, #tpu.memory_space<vmem>> -> memref<2048xf32, #tpu.memory_space<vmem>>
      %dma_wait3A_217 = arith.constant 0 : i32
      %dma_wait3A_218 = tpu.memref_slice %arg6[%dma_wait3A_212, %dma_wait3A_217] : memref<1x2048xi32, #tpu.memory_space<vmem>> -> memref<1x2048xi32, #tpu.memory_space<vmem>>
      %dma_wait3A_219 = tpu.memref_squeeze %dma_wait3A_218 : memref<1x2048xi32, #tpu.memory_space<vmem>> -> memref<2048xi32, #tpu.memory_space<vmem>>
      %dma_wait3A_220 = arith.constant 0 : i32
      %dma_wait3A_221 = tpu.memref_slice %arg10[%dma_wait3A_220] : memref<1000000xf32, #tpu.memory_space<vmem_shared>> -> memref<1000000xf32, #tpu.memory_space<vmem_shared>>
      tpu.wait_indirect_dma semaphore(%arg11 : memref<!tpu.dma_semaphore, #tpu.memory_space<semaphore_mem>>) src(%dma_wait3A_221 : memref<1000000xf32, #tpu.memory_space<vmem_shared>>) dst(%dma_wait3A_216 : memref<2048xf32, #tpu.memory_space<vmem>>)
      %jit3A_222 = arith.constant 8 : i32
      %div3A_223 = arith.divsi %add3A_145, %jit3A_222 : i32
      %sign3A_224 = arith.constant 0 : i32
      %sign3A_225 = arith.cmpi sgt, %add3A_145, %sign3A_224 : i32
      %sign3A_226 = arith.extui %sign3A_225 : i1 to i32
      %sign3A_227 = arith.constant 0 : i32
      %sign3A_228 = arith.cmpi slt, %add3A_145, %sign3A_227 : i32
      %sign3A_229 = arith.extui %sign3A_228 : i1 to i32
      %sign3A_230 = arith.subi %sign3A_226, %sign3A_229 : i32
      %sign3A_231 = arith.constant 0 : i32
      %sign3A_232 = arith.cmpi sgt, %jit3A_222, %sign3A_231 : i32
      %sign3A_233 = arith.extui %sign3A_232 : i1 to i32
      %sign3A_234 = arith.constant 0 : i32
      %sign3A_235 = arith.cmpi slt, %jit3A_222, %sign3A_234 : i32
      %sign3A_236 = arith.extui %sign3A_235 : i1 to i32
      %sign3A_237 = arith.subi %sign3A_233, %sign3A_236 : i32
      %ne3A_238 = arith.cmpi ne, %sign3A_230, %sign3A_237 : i32
      %rem3A_239 = arith.remsi %add3A_145, %jit3A_222 : i32
      %ne3A_240 = arith.constant 0 : i32
      %ne3A_241 = arith.cmpi ne, %rem3A_239, %ne3A_240 : i32
      %and3A_242 = arith.andi %ne3A_238, %ne3A_241 : i1
      %sub3A_243 = arith.constant 1 : i32
      %sub3A_244 = arith.subi %div3A_223, %sub3A_243 : i32
      %select_n3A_245 = arith.select %and3A_242, %sub3A_244, %div3A_223 : i32
      %jit3A_246 = arith.constant 8 : i32
      %eq3A_247 = arith.constant 0 : i32
      %eq3A_248 = arith.cmpi eq, %jit3A_246, %eq3A_247 : i32
      %jit3A_249 = arith.constant 1 : i32
      %select_n3A_250 = arith.select %eq3A_248, %jit3A_249, %jit3A_246 : i32
      %rem3A_251 = arith.remsi %add3A_145, %select_n3A_250 : i32
      %ne3A_252 = arith.constant 0 : i32
      %ne3A_253 = arith.cmpi ne, %rem3A_251, %ne3A_252 : i32
      %lt3A_254 = arith.constant 0 : i32
      %lt3A_255 = arith.cmpi slt, %rem3A_251, %lt3A_254 : i32
      %lt3A_256 = arith.constant 0 : i32
      %lt3A_257 = arith.cmpi slt, %select_n3A_250, %lt3A_256 : i32
      %ne3A_258 = arith.xori %lt3A_255, %lt3A_257 : i1
      %and3A_259 = arith.andi %ne3A_258, %ne3A_253 : i1
      %add3A_260 = arith.addi %rem3A_251, %select_n3A_250 : i32
      %select_n3A_261 = arith.select %and3A_259, %add3A_260, %rem3A_251 : i32
      %mul3A_262 = arith.constant 2048 : i32
      %mul3A_263 = arith.muli %select_n3A_261, %mul3A_262 : i32
      %dma_start3A_264 = tpu.memref_slice %arg4[%select_n3A_245, %mul3A_263] : memref<200x16384xf32, #tpu.memory_space<hbm>> -> memref<1x2048xf32, #tpu.memory_space<hbm>>
      %dma_start3A_265 = tpu.memref_slice %arg4[%select_n3A_245, %mul3A_263] : memref<200x16384xf32, #tpu.memory_space<hbm>> -> memref<1x2048xf32, #tpu.memory_space<hbm>>
      tpu.enqueue_dma source(%arg8 : memref<1x2048xf32, #tpu.memory_space<vmem>>) target(%dma_start3A_265 : memref<1x2048xf32, #tpu.memory_space<hbm>>) target_semaphore(%arg14 : memref<!tpu.dma_semaphore, #tpu.memory_space<semaphore_mem>>)
      %add3A_266 = arith.constant 1 : i32
      %add3A_267 = arith.addi %add3A_145, %add3A_266 : i32
      %add3A_268 = arith.constant 2 : i32
      %add3A_269 = arith.addi %add3A_145, %add3A_268 : i32
      %sub3A_270 = arith.constant 1 : i32
      %sub3A_271 = arith.subi %add3A_145, %sub3A_270 : i32
      %jit3A_272 = arith.constant 8 : i32
      %div3A_273 = arith.divsi %add3A_267, %jit3A_272 : i32
      %sign3A_274 = arith.constant 0 : i32
      %sign3A_275 = arith.cmpi sgt, %add3A_267, %sign3A_274 : i32
      %sign3A_276 = arith.extui %sign3A_275 : i1 to i32
      %sign3A_277 = arith.constant 0 : i32
      %sign3A_278 = arith.cmpi slt, %add3A_267, %sign3A_277 : i32
      %sign3A_279 = arith.extui %sign3A_278 : i1 to i32
      %sign3A_280 = arith.subi %sign3A_276, %sign3A_279 : i32
      %sign3A_281 = arith.constant 0 : i32
      %sign3A_282 = arith.cmpi sgt, %jit3A_272, %sign3A_281 : i32
      %sign3A_283 = arith.extui %sign3A_282 : i1 to i32
      %sign3A_284 = arith.constant 0 : i32
      %sign3A_285 = arith.cmpi slt, %jit3A_272, %sign3A_284 : i32
      %sign3A_286 = arith.extui %sign3A_285 : i1 to i32
      %sign3A_287 = arith.subi %sign3A_283, %sign3A_286 : i32
      %ne3A_288 = arith.cmpi ne, %sign3A_280, %sign3A_287 : i32
      %rem3A_289 = arith.remsi %add3A_267, %jit3A_272 : i32
      %ne3A_290 = arith.constant 0 : i32
      %ne3A_291 = arith.cmpi ne, %rem3A_289, %ne3A_290 : i32
      %and3A_292 = arith.andi %ne3A_288, %ne3A_291 : i1
      %sub3A_293 = arith.constant 1 : i32
      %sub3A_294 = arith.subi %div3A_273, %sub3A_293 : i32
      %select_n3A_295 = arith.select %and3A_292, %sub3A_294, %div3A_273 : i32
      %jit3A_296 = arith.constant 8 : i32
      %eq3A_297 = arith.constant 0 : i32
      %eq3A_298 = arith.cmpi eq, %jit3A_296, %eq3A_297 : i32
      %jit3A_299 = arith.constant 1 : i32
      %select_n3A_300 = arith.select %eq3A_298, %jit3A_299, %jit3A_296 : i32
      %rem3A_301 = arith.remsi %add3A_267, %select_n3A_300 : i32
      %ne3A_302 = arith.constant 0 : i32
      %ne3A_303 = arith.cmpi ne, %rem3A_301, %ne3A_302 : i32
      %lt3A_304 = arith.constant 0 : i32
      %lt3A_305 = arith.cmpi slt, %rem3A_301, %lt3A_304 : i32
      %lt3A_306 = arith.constant 0 : i32
      %lt3A_307 = arith.cmpi slt, %select_n3A_300, %lt3A_306 : i32
      %ne3A_308 = arith.xori %lt3A_305, %lt3A_307 : i1
      %and3A_309 = arith.andi %ne3A_308, %ne3A_303 : i1
      %add3A_310 = arith.addi %rem3A_301, %select_n3A_300 : i32
      %select_n3A_311 = arith.select %and3A_309, %add3A_310, %rem3A_301 : i32
      %mul3A_312 = arith.constant 2048 : i32
      %mul3A_313 = arith.muli %select_n3A_311, %mul3A_312 : i32
      %dma_wait3A_314 = tpu.memref_slice %arg2[%select_n3A_295, %mul3A_313] : memref<200x16384xi32, #tpu.memory_space<hbm>> -> memref<1x2048xi32, #tpu.memory_space<hbm>>
      %dma_wait3A_315 = tpu.memref_slice %arg2[%select_n3A_295, %mul3A_313] : memref<200x16384xi32, #tpu.memory_space<hbm>> -> memref<1x2048xi32, #tpu.memory_space<hbm>>
      tpu.wait_dma2 semaphore(%arg13 : memref<!tpu.dma_semaphore, #tpu.memory_space<semaphore_mem>>) src(%dma_wait3A_315 : memref<1x2048xi32, #tpu.memory_space<hbm>>) dst(%arg7 : memref<1x2048xi32, #tpu.memory_space<vmem>>)
      %add3A_316 = arith.constant 50 : i32
      %add3A_317 = arith.addi %mul3A_2, %add3A_316 : i32
      %lt3A_318 = arith.cmpi slt, %add3A_269, %add3A_317 : i32
      %convert_element_type3A_319 = arith.extui %lt3A_318 : i1 to i32
      %cond3A_320 = arith.constant 0 : i32
      %cond3A_321 = arith.cmpi ne, %convert_element_type3A_319, %cond3A_320 : i32
      scf.if %cond3A_321 {
        %jit3A_391 = arith.constant 8 : i32
        %div3A_392 = arith.divsi %add3A_269, %jit3A_391 : i32
        %sign3A_393 = arith.constant 0 : i32
        %sign3A_394 = arith.cmpi sgt, %add3A_269, %sign3A_393 : i32
        %sign3A_395 = arith.extui %sign3A_394 : i1 to i32
        %sign3A_396 = arith.constant 0 : i32
        %sign3A_397 = arith.cmpi slt, %add3A_269, %sign3A_396 : i32
        %sign3A_398 = arith.extui %sign3A_397 : i1 to i32
        %sign3A_399 = arith.subi %sign3A_395, %sign3A_398 : i32
        %sign3A_400 = arith.constant 0 : i32
        %sign3A_401 = arith.cmpi sgt, %jit3A_391, %sign3A_400 : i32
        %sign3A_402 = arith.extui %sign3A_401 : i1 to i32
        %sign3A_403 = arith.constant 0 : i32
        %sign3A_404 = arith.cmpi slt, %jit3A_391, %sign3A_403 : i32
        %sign3A_405 = arith.extui %sign3A_404 : i1 to i32
        %sign3A_406 = arith.subi %sign3A_402, %sign3A_405 : i32
        %ne3A_407 = arith.cmpi ne, %sign3A_399, %sign3A_406 : i32
        %rem3A_408 = arith.remsi %add3A_269, %jit3A_391 : i32
        %ne3A_409 = arith.constant 0 : i32
        %ne3A_410 = arith.cmpi ne, %rem3A_408, %ne3A_409 : i32
        %and3A_411 = arith.andi %ne3A_407, %ne3A_410 : i1
        %sub3A_412 = arith.constant 1 : i32
        %sub3A_413 = arith.subi %div3A_392, %sub3A_412 : i32
        %select_n3A_414 = arith.select %and3A_411, %sub3A_413, %div3A_392 : i32
        %jit3A_415 = arith.constant 8 : i32
        %eq3A_416 = arith.constant 0 : i32
        %eq3A_417 = arith.cmpi eq, %jit3A_415, %eq3A_416 : i32
        %jit3A_418 = arith.constant 1 : i32
        %select_n3A_419 = arith.select %eq3A_417, %jit3A_418, %jit3A_415 : i32
        %rem3A_420 = arith.remsi %add3A_269, %select_n3A_419 : i32
        %ne3A_421 = arith.constant 0 : i32
        %ne3A_422 = arith.cmpi ne, %rem3A_420, %ne3A_421 : i32
        %lt3A_423 = arith.constant 0 : i32
        %lt3A_424 = arith.cmpi slt, %rem3A_420, %lt3A_423 : i32
        %lt3A_425 = arith.constant 0 : i32
        %lt3A_426 = arith.cmpi slt, %select_n3A_419, %lt3A_425 : i32
        %ne3A_427 = arith.xori %lt3A_424, %lt3A_426 : i1
        %and3A_428 = arith.andi %ne3A_427, %ne3A_422 : i1
        %add3A_429 = arith.addi %rem3A_420, %select_n3A_419 : i32
        %select_n3A_430 = arith.select %and3A_428, %add3A_429, %rem3A_420 : i32
        %mul3A_431 = arith.constant 2048 : i32
        %mul3A_432 = arith.muli %select_n3A_430, %mul3A_431 : i32
        %dma_start3A_433 = tpu.memref_slice %arg2[%select_n3A_414, %mul3A_432] : memref<200x16384xi32, #tpu.memory_space<hbm>> -> memref<1x2048xi32, #tpu.memory_space<hbm>>
        %dma_start3A_434 = tpu.memref_slice %arg2[%select_n3A_414, %mul3A_432] : memref<200x16384xi32, #tpu.memory_space<hbm>> -> memref<1x2048xi32, #tpu.memory_space<hbm>>
        tpu.enqueue_dma source(%dma_start3A_434 : memref<1x2048xi32, #tpu.memory_space<hbm>>) target(%arg6 : memref<1x2048xi32, #tpu.memory_space<vmem>>) target_semaphore(%arg12 : memref<!tpu.dma_semaphore, #tpu.memory_space<semaphore_mem>>)
      } else {
      }
      %gt3A_322 = arith.constant 0 : i32
      %gt3A_323 = arith.cmpi sgt, %scan3A_142, %gt3A_322 : i32
      %convert_element_type3A_324 = arith.extui %gt3A_323 : i1 to i32
      %cond3A_325 = arith.constant 0 : i32
      %cond3A_326 = arith.cmpi ne, %convert_element_type3A_324, %cond3A_325 : i32
      scf.if %cond3A_326 {
        %jit3A_391 = arith.constant 8 : i32
        %div3A_392 = arith.divsi %sub3A_271, %jit3A_391 : i32
        %sign3A_393 = arith.constant 0 : i32
        %sign3A_394 = arith.cmpi sgt, %sub3A_271, %sign3A_393 : i32
        %sign3A_395 = arith.extui %sign3A_394 : i1 to i32
        %sign3A_396 = arith.constant 0 : i32
        %sign3A_397 = arith.cmpi slt, %sub3A_271, %sign3A_396 : i32
        %sign3A_398 = arith.extui %sign3A_397 : i1 to i32
        %sign3A_399 = arith.subi %sign3A_395, %sign3A_398 : i32
        %sign3A_400 = arith.constant 0 : i32
        %sign3A_401 = arith.cmpi sgt, %jit3A_391, %sign3A_400 : i32
        %sign3A_402 = arith.extui %sign3A_401 : i1 to i32
        %sign3A_403 = arith.constant 0 : i32
        %sign3A_404 = arith.cmpi slt, %jit3A_391, %sign3A_403 : i32
        %sign3A_405 = arith.extui %sign3A_404 : i1 to i32
        %sign3A_406 = arith.subi %sign3A_402, %sign3A_405 : i32
        %ne3A_407 = arith.cmpi ne, %sign3A_399, %sign3A_406 : i32
        %rem3A_408 = arith.remsi %sub3A_271, %jit3A_391 : i32
        %ne3A_409 = arith.constant 0 : i32
        %ne3A_410 = arith.cmpi ne, %rem3A_408, %ne3A_409 : i32
        %and3A_411 = arith.andi %ne3A_407, %ne3A_410 : i1
        %sub3A_412 = arith.constant 1 : i32
        %sub3A_413 = arith.subi %div3A_392, %sub3A_412 : i32
        %select_n3A_414 = arith.select %and3A_411, %sub3A_413, %div3A_392 : i32
        %jit3A_415 = arith.constant 8 : i32
        %eq3A_416 = arith.constant 0 : i32
        %eq3A_417 = arith.cmpi eq, %jit3A_415, %eq3A_416 : i32
        %jit3A_418 = arith.constant 1 : i32
        %select_n3A_419 = arith.select %eq3A_417, %jit3A_418, %jit3A_415 : i32
        %rem3A_420 = arith.remsi %sub3A_271, %select_n3A_419 : i32
        %ne3A_421 = arith.constant 0 : i32
        %ne3A_422 = arith.cmpi ne, %rem3A_420, %ne3A_421 : i32
        %lt3A_423 = arith.constant 0 : i32
        %lt3A_424 = arith.cmpi slt, %rem3A_420, %lt3A_423 : i32
        %lt3A_425 = arith.constant 0 : i32
        %lt3A_426 = arith.cmpi slt, %select_n3A_419, %lt3A_425 : i32
        %ne3A_427 = arith.xori %lt3A_424, %lt3A_426 : i1
        %and3A_428 = arith.andi %ne3A_427, %ne3A_422 : i1
        %add3A_429 = arith.addi %rem3A_420, %select_n3A_419 : i32
        %select_n3A_430 = arith.select %and3A_428, %add3A_429, %rem3A_420 : i32
        %mul3A_431 = arith.constant 2048 : i32
        %mul3A_432 = arith.muli %select_n3A_430, %mul3A_431 : i32
        %dma_wait3A_433 = tpu.memref_slice %arg4[%select_n3A_414, %mul3A_432] : memref<200x16384xf32, #tpu.memory_space<hbm>> -> memref<1x2048xf32, #tpu.memory_space<hbm>>
        %dma_wait3A_434 = tpu.memref_slice %arg4[%select_n3A_414, %mul3A_432] : memref<200x16384xf32, #tpu.memory_space<hbm>> -> memref<1x2048xf32, #tpu.memory_space<hbm>>
        tpu.wait_dma2 semaphore(%arg15 : memref<!tpu.dma_semaphore, #tpu.memory_space<semaphore_mem>>) src(%arg9 : memref<1x2048xf32, #tpu.memory_space<vmem>>) dst(%dma_wait3A_434 : memref<1x2048xf32, #tpu.memory_space<hbm>>)
      } else {
      }
      %dma_start3A_327 = arith.constant 0 : i32
      %dma_start3A_328 = arith.constant 0 : i32
      %dma_start3A_329 = arith.constant 0 : i32
      %dma_start3A_330 = tpu.memref_slice %arg9[%dma_start3A_328, %dma_start3A_329] : memref<1x2048xf32, #tpu.memory_space<vmem>> -> memref<1x2048xf32, #tpu.memory_space<vmem>>
      %dma_start3A_331 = tpu.memref_squeeze %dma_start3A_330 : memref<1x2048xf32, #tpu.memory_space<vmem>> -> memref<2048xf32, #tpu.memory_space<vmem>>
      %dma_start3A_332 = arith.constant 0 : i32
      %dma_start3A_333 = tpu.memref_slice %arg7[%dma_start3A_327, %dma_start3A_332] : memref<1x2048xi32, #tpu.memory_space<vmem>> -> memref<1x2048xi32, #tpu.memory_space<vmem>>
      %dma_start3A_334 = tpu.memref_squeeze %dma_start3A_333 : memref<1x2048xi32, #tpu.memory_space<vmem>> -> memref<2048xi32, #tpu.memory_space<vmem>>
      %dma_start3A_335 = arith.constant 0 : i32
      %dma_start3A_336 = tpu.memref_slice %arg10[%dma_start3A_335] : memref<1000000xf32, #tpu.memory_space<vmem_shared>> -> memref<1000000xf32, #tpu.memory_space<vmem_shared>>
      tpu.enqueue_indirect_dma source(%dma_start3A_336 : memref<1000000xf32, #tpu.memory_space<vmem_shared>>) target(%dma_start3A_331 : memref<2048xf32, #tpu.memory_space<vmem>>) offsets(%dma_start3A_334 : memref<2048xi32, #tpu.memory_space<vmem>>) semaphore(%arg11 : memref<!tpu.dma_semaphore, #tpu.memory_space<semaphore_mem>>)
      %dma_wait3A_337 = arith.constant 0 : i32
      %dma_wait3A_338 = arith.constant 0 : i32
      %dma_wait3A_339 = arith.constant 0 : i32
      %dma_wait3A_340 = tpu.memref_slice %arg9[%dma_wait3A_338, %dma_wait3A_339] : memref<1x2048xf32, #tpu.memory_space<vmem>> -> memref<1x2048xf32, #tpu.memory_space<vmem>>
      %dma_wait3A_341 = tpu.memref_squeeze %dma_wait3A_340 : memref<1x2048xf32, #tpu.memory_space<vmem>> -> memref<2048xf32, #tpu.memory_space<vmem>>
      %dma_wait3A_342 = arith.constant 0 : i32
      %dma_wait3A_343 = tpu.memref_slice %arg7[%dma_wait3A_337, %dma_wait3A_342] : memref<1x2048xi32, #tpu.memory_space<vmem>> -> memref<1x2048xi32, #tpu.memory_space<vmem>>
      %dma_wait3A_344 = tpu.memref_squeeze %dma_wait3A_343 : memref<1x2048xi32, #tpu.memory_space<vmem>> -> memref<2048xi32, #tpu.memory_space<vmem>>
      %dma_wait3A_345 = arith.constant 0 : i32
      %dma_wait3A_346 = tpu.memref_slice %arg10[%dma_wait3A_345] : memref<1000000xf32, #tpu.memory_space<vmem_shared>> -> memref<1000000xf32, #tpu.memory_space<vmem_shared>>
      tpu.wait_indirect_dma semaphore(%arg11 : memref<!tpu.dma_semaphore, #tpu.memory_space<semaphore_mem>>) src(%dma_wait3A_346 : memref<1000000xf32, #tpu.memory_space<vmem_shared>>) dst(%dma_wait3A_341 : memref<2048xf32, #tpu.memory_space<vmem>>)
      %jit3A_347 = arith.constant 8 : i32
      %div3A_348 = arith.divsi %add3A_267, %jit3A_347 : i32
      %sign3A_349 = arith.constant 0 : i32
      %sign3A_350 = arith.cmpi sgt, %add3A_267, %sign3A_349 : i32
      %sign3A_351 = arith.extui %sign3A_350 : i1 to i32
      %sign3A_352 = arith.constant 0 : i32
      %sign3A_353 = arith.cmpi slt, %add3A_267, %sign3A_352 : i32
      %sign3A_354 = arith.extui %sign3A_353 : i1 to i32
      %sign3A_355 = arith.subi %sign3A_351, %sign3A_354 : i32
      %sign3A_356 = arith.constant 0 : i32
      %sign3A_357 = arith.cmpi sgt, %jit3A_347, %sign3A_356 : i32
      %sign3A_358 = arith.extui %sign3A_357 : i1 to i32
      %sign3A_359 = arith.constant 0 : i32
      %sign3A_360 = arith.cmpi slt, %jit3A_347, %sign3A_359 : i32
      %sign3A_361 = arith.extui %sign3A_360 : i1 to i32
      %sign3A_362 = arith.subi %sign3A_358, %sign3A_361 : i32
      %ne3A_363 = arith.cmpi ne, %sign3A_355, %sign3A_362 : i32
      %rem3A_364 = arith.remsi %add3A_267, %jit3A_347 : i32
      %ne3A_365 = arith.constant 0 : i32
      %ne3A_366 = arith.cmpi ne, %rem3A_364, %ne3A_365 : i32
      %and3A_367 = arith.andi %ne3A_363, %ne3A_366 : i1
      %sub3A_368 = arith.constant 1 : i32
      %sub3A_369 = arith.subi %div3A_348, %sub3A_368 : i32
      %select_n3A_370 = arith.select %and3A_367, %sub3A_369, %div3A_348 : i32
      %jit3A_371 = arith.constant 8 : i32
      %eq3A_372 = arith.constant 0 : i32
      %eq3A_373 = arith.cmpi eq, %jit3A_371, %eq3A_372 : i32
      %jit3A_374 = arith.constant 1 : i32
      %select_n3A_375 = arith.select %eq3A_373, %jit3A_374, %jit3A_371 : i32
      %rem3A_376 = arith.remsi %add3A_267, %select_n3A_375 : i32
      %ne3A_377 = arith.constant 0 : i32
      %ne3A_378 = arith.cmpi ne, %rem3A_376, %ne3A_377 : i32
      %lt3A_379 = arith.constant 0 : i32
      %lt3A_380 = arith.cmpi slt, %rem3A_376, %lt3A_379 : i32
      %lt3A_381 = arith.constant 0 : i32
      %lt3A_382 = arith.cmpi slt, %select_n3A_375, %lt3A_381 : i32
      %ne3A_383 = arith.xori %lt3A_380, %lt3A_382 : i1
      %and3A_384 = arith.andi %ne3A_383, %ne3A_378 : i1
      %add3A_385 = arith.addi %rem3A_376, %select_n3A_375 : i32
      %select_n3A_386 = arith.select %and3A_384, %add3A_385, %rem3A_376 : i32
      %mul3A_387 = arith.constant 2048 : i32
      %mul3A_388 = arith.muli %select_n3A_386, %mul3A_387 : i32
      %dma_start3A_389 = tpu.memref_slice %arg4[%select_n3A_370, %mul3A_388] : memref<200x16384xf32, #tpu.memory_space<hbm>> -> memref<1x2048xf32, #tpu.memory_space<hbm>>
      %dma_start3A_390 = tpu.memref_slice %arg4[%select_n3A_370, %mul3A_388] : memref<200x16384xf32, #tpu.memory_space<hbm>> -> memref<1x2048xf32, #tpu.memory_space<hbm>>
      tpu.enqueue_dma source(%arg9 : memref<1x2048xf32, #tpu.memory_space<vmem>>) target(%dma_start3A_390 : memref<1x2048xf32, #tpu.memory_space<hbm>>) target_semaphore(%arg15 : memref<!tpu.dma_semaphore, #tpu.memory_space<semaphore_mem>>)
    }
    %scan3A_46 = arith.constant 25 : i32
    %add3A_47 = arith.constant 50 : i32
    %add3A_48 = arith.addi %mul3A_2, %add3A_47 : i32
    %sub3A_49 = arith.constant 2 : i32
    %sub3A_50 = arith.subi %add3A_48, %sub3A_49 : i32
    %jit3A_51 = arith.constant 8 : i32
    %div3A_52 = arith.divsi %sub3A_50, %jit3A_51 : i32
    %sign3A_53 = arith.constant 0 : i32
    %sign3A_54 = arith.cmpi sgt, %sub3A_50, %sign3A_53 : i32
    %sign3A_55 = arith.extui %sign3A_54 : i1 to i32
    %sign3A_56 = arith.constant 0 : i32
    %sign3A_57 = arith.cmpi slt, %sub3A_50, %sign3A_56 : i32
    %sign3A_58 = arith.extui %sign3A_57 : i1 to i32
    %sign3A_59 = arith.subi %sign3A_55, %sign3A_58 : i32
    %sign3A_60 = arith.constant 0 : i32
    %sign3A_61 = arith.cmpi sgt, %jit3A_51, %sign3A_60 : i32
    %sign3A_62 = arith.extui %sign3A_61 : i1 to i32
    %sign3A_63 = arith.constant 0 : i32
    %sign3A_64 = arith.cmpi slt, %jit3A_51, %sign3A_63 : i32
    %sign3A_65 = arith.extui %sign3A_64 : i1 to i32
    %sign3A_66 = arith.subi %sign3A_62, %sign3A_65 : i32
    %ne3A_67 = arith.cmpi ne, %sign3A_59, %sign3A_66 : i32
    %rem3A_68 = arith.remsi %sub3A_50, %jit3A_51 : i32
    %ne3A_69 = arith.constant 0 : i32
    %ne3A_70 = arith.cmpi ne, %rem3A_68, %ne3A_69 : i32
    %and3A_71 = arith.andi %ne3A_67, %ne3A_70 : i1
    %sub3A_72 = arith.constant 1 : i32
    %sub3A_73 = arith.subi %div3A_52, %sub3A_72 : i32
    %select_n3A_74 = arith.select %and3A_71, %sub3A_73, %div3A_52 : i32
    %jit3A_75 = arith.constant 8 : i32
    %eq3A_76 = arith.constant 0 : i32
    %eq3A_77 = arith.cmpi eq, %jit3A_75, %eq3A_76 : i32
    %jit3A_78 = arith.constant 1 : i32
    %select_n3A_79 = arith.select %eq3A_77, %jit3A_78, %jit3A_75 : i32
    %rem3A_80 = arith.remsi %sub3A_50, %select_n3A_79 : i32
    %ne3A_81 = arith.constant 0 : i32
    %ne3A_82 = arith.cmpi ne, %rem3A_80, %ne3A_81 : i32
    %lt3A_83 = arith.constant 0 : i32
    %lt3A_84 = arith.cmpi slt, %rem3A_80, %lt3A_83 : i32
    %lt3A_85 = arith.constant 0 : i32
    %lt3A_86 = arith.cmpi slt, %select_n3A_79, %lt3A_85 : i32
    %ne3A_87 = arith.xori %lt3A_84, %lt3A_86 : i1
    %and3A_88 = arith.andi %ne3A_87, %ne3A_82 : i1
    %add3A_89 = arith.addi %rem3A_80, %select_n3A_79 : i32
    %select_n3A_90 = arith.select %and3A_88, %add3A_89, %rem3A_80 : i32
    %mul3A_91 = arith.constant 2048 : i32
    %mul3A_92 = arith.muli %select_n3A_90, %mul3A_91 : i32
    %dma_wait3A = tpu.memref_slice %arg4[%select_n3A_74, %mul3A_92] : memref<200x16384xf32, #tpu.memory_space<hbm>> -> memref<1x2048xf32, #tpu.memory_space<hbm>>
    %dma_wait3A_93 = tpu.memref_slice %arg4[%select_n3A_74, %mul3A_92] : memref<200x16384xf32, #tpu.memory_space<hbm>> -> memref<1x2048xf32, #tpu.memory_space<hbm>>
    tpu.wait_dma2 semaphore(%arg14 : memref<!tpu.dma_semaphore, #tpu.memory_space<semaphore_mem>>) src(%arg8 : memref<1x2048xf32, #tpu.memory_space<vmem>>) dst(%dma_wait3A_93 : memref<1x2048xf32, #tpu.memory_space<hbm>>)
    %add3A_94 = arith.constant 50 : i32
    %add3A_95 = arith.addi %mul3A_2, %add3A_94 : i32
    %sub3A_96 = arith.constant 1 : i32
    %sub3A_97 = arith.subi %add3A_95, %sub3A_96 : i32
    %jit3A_98 = arith.constant 8 : i32
    %div3A_99 = arith.divsi %sub3A_97, %jit3A_98 : i32
    %sign3A_100 = arith.constant 0 : i32
    %sign3A_101 = arith.cmpi sgt, %sub3A_97, %sign3A_100 : i32
    %sign3A_102 = arith.extui %sign3A_101 : i1 to i32
    %sign3A_103 = arith.constant 0 : i32
    %sign3A_104 = arith.cmpi slt, %sub3A_97, %sign3A_103 : i32
    %sign3A_105 = arith.extui %sign3A_104 : i1 to i32
    %sign3A_106 = arith.subi %sign3A_102, %sign3A_105 : i32
    %sign3A_107 = arith.constant 0 : i32
    %sign3A_108 = arith.cmpi sgt, %jit3A_98, %sign3A_107 : i32
    %sign3A_109 = arith.extui %sign3A_108 : i1 to i32
    %sign3A_110 = arith.constant 0 : i32
    %sign3A_111 = arith.cmpi slt, %jit3A_98, %sign3A_110 : i32
    %sign3A_112 = arith.extui %sign3A_111 : i1 to i32
    %sign3A_113 = arith.subi %sign3A_109, %sign3A_112 : i32
    %ne3A_114 = arith.cmpi ne, %sign3A_106, %sign3A_113 : i32
    %rem3A_115 = arith.remsi %sub3A_97, %jit3A_98 : i32
    %ne3A_116 = arith.constant 0 : i32
    %ne3A_117 = arith.cmpi ne, %rem3A_115, %ne3A_116 : i32
    %and3A_118 = arith.andi %ne3A_114, %ne3A_117 : i1
    %sub3A_119 = arith.constant 1 : i32
    %sub3A_120 = arith.subi %div3A_99, %sub3A_119 : i32
    %select_n3A_121 = arith.select %and3A_118, %sub3A_120, %div3A_99 : i32
    %jit3A_122 = arith.constant 8 : i32
    %eq3A_123 = arith.constant 0 : i32
    %eq3A_124 = arith.cmpi eq, %jit3A_122, %eq3A_123 : i32
    %jit3A_125 = arith.constant 1 : i32
    %select_n3A_126 = arith.select %eq3A_124, %jit3A_125, %jit3A_122 : i32
    %rem3A_127 = arith.remsi %sub3A_97, %select_n3A_126 : i32
    %ne3A_128 = arith.constant 0 : i32
    %ne3A_129 = arith.cmpi ne, %rem3A_127, %ne3A_128 : i32
    %lt3A_130 = arith.constant 0 : i32
    %lt3A_131 = arith.cmpi slt, %rem3A_127, %lt3A_130 : i32
    %lt3A_132 = arith.constant 0 : i32
    %lt3A_133 = arith.cmpi slt, %select_n3A_126, %lt3A_132 : i32
    %ne3A_134 = arith.xori %lt3A_131, %lt3A_133 : i1
    %and3A_135 = arith.andi %ne3A_134, %ne3A_129 : i1
    %add3A_136 = arith.addi %rem3A_127, %select_n3A_126 : i32
    %select_n3A_137 = arith.select %and3A_135, %add3A_136, %rem3A_127 : i32
    %mul3A_138 = arith.constant 2048 : i32
    %mul3A_139 = arith.muli %select_n3A_137, %mul3A_138 : i32
    %dma_wait3A_140 = tpu.memref_slice %arg4[%select_n3A_121, %mul3A_139] : memref<200x16384xf32, #tpu.memory_space<hbm>> -> memref<1x2048xf32, #tpu.memory_space<hbm>>
    %dma_wait3A_141 = tpu.memref_slice %arg4[%select_n3A_121, %mul3A_139] : memref<200x16384xf32, #tpu.memory_space<hbm>> -> memref<1x2048xf32, #tpu.memory_space<hbm>>
    tpu.wait_dma2 semaphore(%arg15 : memref<!tpu.dma_semaphore, #tpu.memory_space<semaphore_mem>>) src(%arg9 : memref<1x2048xf32, #tpu.memory_space<vmem>>) dst(%dma_wait3A_141 : memref<1x2048xf32, #tpu.memory_space<hbm>>)
    return
  }
}

</mosaic_0001>

<sc_bundles>
// kernel: kernel.3.cloned.1.call-start
scs
__scs_entry_jumppad:
0x0: {  	(pc) =	sbr.rel $0x88, $3  }
0x1: {  	(tag) =	ssettag $0x0;
	lr =	simm.s32 $0x1  }
0x2: {  	[smem:$0x3F9F] =	sst lr;
	_ =	strace $0xD0000000  }
0x3: {  	_ = 	snop  }
0x4: {  	_ = 	snop  }
0x5: {  	_ = 	snop  }
0x6: {  	_ = 	snop  }
0x7: {  	_ = 	snop  }
__scs_overlays_trampoline_lowered:
0x8: {  	[smem:$0x3FAE] =	sst s0  }
0x9: {  	[smem:$0x3FAF] =	sst s1  }
0xa: {  	[smem:$0x3FB0] =	sst s2  }
0xb: {  	[smem:$0x3FB1] =	sst s3  }
0xc: {  	[smem:$0x3FB2] =	sst s4  }
0xd: {  	[smem:$0x3FB3] =	sst s5  }
0xe: {  	[smem:$0x3FB4] =	sst s6  }
0xf: {  	[smem:$0x3FB5] =	sst s7  }
0x10: {  	[smem:$0x3FB6] =	sst s8  }
0x11: {  	[smem:$0x3FB7] =	sst s9;
	s0 =	simm.s32 @!p0 $0x0  }
0x12: {  	s1 =	sld [smem:$0x3F9D];
	s0 =	simm.s32 @p0 $0x1  }
0x13: {  	[smem:$0x3FB8] =	sst s0;
	s0 =	simm.s32 @!p1 $0x0  }
0x14: {  	s2 =	sld [smem:$0x3F9C];
	s0 =	simm.s32 @p1 $0x1  }
0x15: {  	[smem:$0x3FB9] =	sst s0;
	s0 =	simm.s32 @!p2 $0x0  }
0x16: {  	s3 =	sld [smem:$0x3FDB];
	s0 =	simm.s32 @p2 $0x1  }
0x17: {  	s4 =	simm.s32 $0x1BF5;
	[smem:$0x3FBB] =	sst s0  }
0x18: {  	s0 =	sld [smem:$0x3F9E];
	_ =	swait.ge [sflag:s4], $0x0  }
0x19: {  	s7 =	sld [smem:$0x3F9F]  }
0x1a: {  	s8 =	sadd.s32 $0xFFFFE003, lr  }
0x1b: {  	s9 =	sadd.s32 $0xFFFFFEF7, lr;
	s5 =	simm.s32 $0xFFFFFFFF;
	p2 =	slt.u32 s8, $0xFFFFF086  }
0x1c: {  	p1 =	slt.u32 s9, $0xF7A;
	s5 =	simm.s32 @!p2 $0x0  }
0x1d: {  	s5 =	simm.s32 @p1 $0x1;
	p0 =	seq.s32 s7, s2  }
0x1e: {  	s7 =	smul.u32 @!p0 $0xF7A, s2;
	p2 =	seq.s32 @!p0 s5, $0x0  }
0x1f: {  	s9 =	smul.u32 $0xF7A, s1;
	s8 =	simm.s32 @!p0 $0x1BF5;
	p2 =	por !p2, p0  }
0x20: {  	[sflag:s8] =	ssyncset.s32 @!p0 $0xFFFFF086;
	s6 =	sadd.s32 @!p0 s3, s7;
	s7 =	simm.s32 @!p0 $0x108  }
0x21: {  	s3 =	sadd.s32 s3, s9;
	s6 =	sadd.s32 @!p0 $0x88, s6;
	s7 =	simm.s32 @p2 $0x1082  }
0x22: {  	[simem:s7], [sflag:s8] =	dma.local @!p0 [hbm:s6], $0xF7A  }
0x23: {  	s9 =	sor.u32 $0xD0000000, s2;
	s6 =	simm.s32 $0x108;
	_ =	swait.ge @!p0 [sflag:s8], $0x0  }
0x24: {  	s3 =	sadd.s32 $0x88, s3;
	s6 =	simm.s32 @!p1 $0x1082;
	[sflag:s4] =	ssyncset.s32 $0xFFFFF086  }
0x25: {  	[simem:s6], [sflag:s4] =	dma.local [hbm:s3], $0xF7A  }
0x26: {  	[smem:$0x3F9F] =	sst s1;
	(tag) =	ssettag s2;
	_ =	strace s9  }
0x27: {  	s1 =	sld [smem:$0x3FAF]  }
0x28: {  	s2 =	sld [smem:$0x3FB0]  }
0x29: {  	s4 =	sld [smem:$0x3FB2]  }
0x2a: {  	p0 =	seq.s32 s5, $0x0;
	s5 =	sld [smem:$0x3FB3]  }
0x2b: {  	s6 =	sld [smem:$0x3FB4]  }
0x2c: {  	s7 =	sld [smem:$0x3FB5]  }
0x2d: {  	s3 =	simm.s32 $0x108;
	s8 =	sld [smem:$0x3FB6]  }
0x2e: {  	s3 =	simm.s32 @!p0 $0x1082;
	s9 =	sld [smem:$0x3FB7]  }
0x2f: {  	lr =	sadd.s32 s0, s3;
	s0 =	sld [smem:$0x3FAE]  }
0x30: {  	s3 =	sld [smem:$0x3FB1]  }
0x31: {  	[smem:$0x3FBA] =	sst s10  }
0x32: {  	s10 =	sld [smem:$0x3FB8];
	_ =	sdelay $0x3  }
0x33: {  	p0 =	seq.s32 s10, $0x1;
	s10 =	sld [smem:$0x3FBA];
	_ =	sdelay $0x3  }
0x34: {  	[smem:$0x3FBA] =	sst s10  }
0x35: {  	s10 =	sld [smem:$0x3FB9];
	_ =	sdelay $0x3  }
0x36: {  	p1 =	seq.s32 s10, $0x1;
	s10 =	sld [smem:$0x3FBA];
	_ =	sdelay $0x3  }
0x37: {  	[smem:$0x3FBA] =	sst s10  }
0x38: {  	s10 =	sld [smem:$0x3FBB]  }
0x39: {  	_ = 	snop;
	(pc) =	sbr.ind lr, $3  }
0x3a: {  	_ = 	snop  }
0x3b: {  	_ = 	snop  }
0x3c: {  	p2 =	seq.s32 s10, $0x1;
	s10 =	sld [smem:$0x3FBA]  }
0x3d: {  	_ =	shalt  }
0x3e: {  	_ =	shalt  }
0x3f: {  	_ =	shalt  }
0x40: {  	_ =	shalt  }
0x41: {  	_ =	shalt  }
0x42: {  	_ =	shalt  }
0x43: {  	_ =	shalt  }
0x44: {  	_ =	shalt  }
0x45: {  	_ =	shalt  }
0x46: {  	_ =	shalt  }
0x47: {  	_ =	shalt  }
0x48: {  	_ =	shalt  }
0x49: {  	_ =	shalt  }
0x4a: {  	_ =	shalt  }
0x4b: {  	_ =	shalt  }
0x4c: {  	_ =	shalt  }
0x4d: {  	_ =	shalt  }
0x4e: {  	_ =	shalt  }
0x4f: {  	_ =	shalt  }
0x50: {  	_ =	shalt  }
0x51: {  	_ =	shalt  }
0x52: {  	_ =	shalt  }
0x53: {  	_ =	shalt  }
0x54: {  	_ =	shalt  }
0x55: {  	_ =	shalt  }
0x56: {  	_ =	shalt  }
0x57: {  	_ =	shalt  }
0x58: {  	_ =	shalt  }
0x59: {  	_ =	shalt  }
0x5a: {  	_ =	shalt  }
0x5b: {  	_ =	shalt  }
0x5c: {  	_ =	shalt  }
0x5d: {  	_ =	shalt  }
0x5e: {  	_ =	shalt  }
0x5f: {  	_ =	shalt  }
0x60: {  	_ =	shalt  }
0x61: {  	_ =	shalt  }
0x62: {  	_ =	shalt  }
0x63: {  	_ =	shalt  }
0x64: {  	_ =	shalt  }
0x65: {  	_ =	shalt  }
0x66: {  	_ =	shalt  }
0x67: {  	_ =	shalt  }
0x68: {  	_ =	shalt  }
0x69: {  	_ =	shalt  }
0x6a: {  	_ =	shalt  }
0x6b: {  	_ =	shalt  }
0x6c: {  	_ =	shalt  }
0x6d: {  	_ =	shalt  }
0x6e: {  	_ =	shalt  }
0x6f: {  	_ =	shalt  }
0x70: {  	_ =	shalt  }
0x71: {  	_ =	shalt  }
0x72: {  	_ =	shalt  }
0x73: {  	_ =	shalt  }
0x74: {  	_ =	shalt  }
0x75: {  	_ =	shalt  }
0x76: {  	_ =	shalt  }
0x77: {  	_ =	shalt  }
0x78: {  	_ =	shalt  }
0x79: {  	_ =	shalt  }
0x7a: {  	_ =	shalt  }
0x7b: {  	_ =	shalt  }
0x7c: {  	_ =	shalt  }
0x7d: {  	_ =	shalt  }
0x7e: {  	_ =	shalt  }
0x7f: {  	_ =	shalt  }
0x80: {  	_ =	shalt  }
0x81: {  	_ =	shalt  }
0x82: {  	_ =	shalt  }
0x83: {  	_ =	shalt  }
0x84: {  	_ =	shalt  }
0x85: {  	_ =	shalt  }
0x86: {  	_ =	shalt  }
0x87: {  	_ =	shalt  }
.Lfunc_end0:
.L_simem_size_0:
called_computation_lowered:
.L_overlay_start_0:
0x88: {  	s2 =	sld [smem:$0x3FD9]  }
0x89: {  	s3 =	sld [smem:$0x3FFE];
	_ =	sdelay $0x1  }
0x8a: {  	s1 =	srdreg.scid  }
0x8b: {  	s0 =	sand.u32 $0x1, s1  }
0x8c: {  	s18 =	sshll.u32 s0, $0xA;
	s2 =	sadd.s32 s3, s2  }
0x8d: {  	s2 =	sadd.s32 s2, s18  }
0x8e: {  	[smem:$0x3FC6] =	sst s2  }
0x8f: {  	_ = 	snop  }
0x90: {  	s2 =	sld [smem:$0x3FC9]  }
0x91: {  	s19 =	sld [smem:$0x3FC8]  }
0x92: {  	s4 =	sld [smem:$0x3FD0];
	(tm) =	ssettm $0x1  }
0x93: {  	s5 =	sld [smem:$0x3FFB];
	_ =	sdelay $0x3  }
0x94: {  	_ =	strace s5  }
0x95: {  	s5 =	sld [smem:$0x3FFC];
	_ =	sdelay $0x3  }
0x96: {  	_ =	strace s5  }
0x97: {  	s5 =	sld [smem:$0x3FFD];
	_ =	sdelay $0x3  }
0x98: {  	_ =	strace s5  }
0x99: {  	_ =	strace $0x8FFFFFFF  }
0x9a: {  	s20 =	sld [smem:$0x3FDB];
	_ =	sdelay $0x1  }
0x9b: {  	s6 =	simm.s32 $_scs_section_size  }
0x9c: {  	s7 =	simm.s32 $_size__tile_overlayer_lowered;
	s8 =	simm.s32 $_tile_overlayer_lowered  }
0x9d: {  	s23 =	simm.s32 $0x1BFF;
	s22 =	sshll.u32 s8, $0x1;
	s5 =	sadd.s32 s6, s20  }
0x9e: {  	s9 =	simm.s32 $0x0;
	s21 =	sshll.u32 s7, $0x1;
	s7 =	sadd.s32 s22, s5  }
0x9f: {  	[timem:s9], [sflag:s23] =	dma.local [hbm:s7], s21  }
0xa0: {  	_ =	swait.ge [sflag:s23], s21  }
0xa1: {  	s6 =	ssub.s32 $0x0, s21;
	[sflag:s23] =	ssyncset.done $0x0  }
0xa2: {  	[sflag:s23] =	ssyncadd.s32 s6;
	_ =	sdelay $0x1  }
0xa3: {  	s24 =	simm.s32 $0x1B8B  }
0xa4: {  	_ =	swait.ge [sflag:s24], $0x1  }
0xa5: {  	[sflag:s24] =	ssyncset.done $0x0  }
0xa6: {  	s25 =	simm.s32 $0x1B8E;
	[sflag:s24] =	ssyncadd.s32 $0xFFFFFFFF  }
0xa7: {  	s26 =	simm.s32 $execute0_lowered;
	[smem:$0x3FD2] =	sst s25  }
0xa8: {  	s6 =	sshll.u32 s26, $0x1;
	_ =	strace $0x80000046;
	[dreg:$0x1] =	wrdreg $0xFFFFFFFF  }
0xa9: {  	s28 =	simm.s32 $_size_execute0_lowered;
	s5 =	sadd.s32 s5, s6;
	[dreg:$0x0] =	wrdreg $0x0  }
0xaa: {  	s6 =	sshll.u32 s28, $0x1;
	[dreg:$0x2] =	wrdreg s5  }
0xab: {  	[dreg:$0x3] =	wrdreg s6  }
0xac: {  	[dreg:$0x4] =	wrdreg $0xC0  }
0xad: {  	_ =	task [dreg:s9], $0x5FFFF  }
0xae: {  	[dreg:$0x1] =	wrdreg $0xFFFFFFFF  }
0xaf: {  	[dreg:$0x0] =	wrdreg $0x60  }
0xb0: {  	[dreg:$0x2] =	wrdreg s2  }
0xb1: {  	[dreg:$0x3] =	wrdreg s19  }
0xb2: {  	[dreg:$0x4] =	wrdreg s4  }
0xb3: {  	[dreg:$0x5] =	wrdreg $0x40000  }
0xb4: {  	[dreg:$0x6] =	wrdreg $0x9  }
0xb5: {  	_ =	task.clear_ibuf [dreg:s9], $0x7FFFF;
	_ =	strace $0x90000046  }
0xb6: {  	s29 =	simm.s32 $0x9;
	_ =	strace $0x80000048  }
0xb7: {  	_ =	swait.ge [sflag:s29], $0x1  }
0xb8: {  	[sflag:s29] =	ssyncadd.s32 $0xFFFFFFFF  }
0xb9: {  	_ =	strace $0x90000048  }
0xba: {  	_ =	sfence  }
0xbb: {  	s30 =	sld [smem:$0x0];
	_ =	sdelay $0x2  }
0xbc: {  	s31 =	sshll.u32 s1, $0xD;
	s1 =	sshrl.u32 s1, $0x2  }
0xbd: {  	s3 =	sand.u32 $0x4000, s31;
	s1 =	sadd.s32 s1, s30  }
0xbe: {  	s0 =	sor.u32 s3, s0;
	s1 =	sshll.u32 s1, $0x11  }
0xbf: {  	s0 =	sor.u32 s1, s0  }
0xc0: {  	s0 =	sadd.s32 $0x8F2B, s0  }
0xc1: {  	[sflag:s0] =	ssyncadd.remote.s32 $0x1  }
0xc2: {  	_ =	sfence.sel $0xFFFF  }
0xc3: {  	[dreg:$0x0] =	wrdreg $0xFFFFFFFF;
	(pc) =	sbr.abs _section_cstart, $3  }
0xc4: {  	[dreg:$0x1] =	wrdreg $0xFFFFFFFF  }
0xc5: {  	_ =	task.clear_ibuf [dreg:s9], $0x2FFFF;
	_ =	strace $0x9FFFFFFF  }
0xc6: {  	(tm) =	ssettm $0x7FFFFFFF  }
0xc7: {  	_ =	shalt  }
tec
execute0_lowered:
.L_overlay_start_1:
0x0: {  	(tag) =	ssettag $0x1  }
0x1: {  	s0 =	rddreg [dreg:$0x0]  }
0x2: {  	s2 =	rddreg [dreg:$0x1]  }
0x3: {  	s1 =	rddreg [dreg:$0x2]  }
0x4: {  	s3 =	srdreg.scid;
	s4 =	rddreg [dreg:$0x3]  }
0x5: {  	s13 =	simm.s32 $0x80;
	s14 =	simm.s32 $0x400;
	s15 =	simm.s32 $0x2000  }
0x6: {  	s16 =	simm.s32 $0x7;
	s17 =	simm.s32 $0x2;
	s18 =	simm.s32 $0x2800  }
0x7: {  	s19 =	simm.s32 $0x800;
	[dreg:$0x5] =	wrdreg s1;
	s1 =	stileid.u32  }
0x8: {  	s20 =	simm.s32 $0x3000;
	s3 =	sand.u32 $0x1, s3;
	s11 =	smul.u32 $0x64, s1  }
0x9: {  	s21 =	simm.s32 $0x1;
	s22 =	simm.s32 $0x3;
	s28 =	smul.u32 $0x32, s3  }
0xa: {  	s23 =	simm.s32 $0x3800;
	s5 =	sshll.u32 s1, $0x1;
	s29 =	smul.u32 $0x32000, s1  }
0xb: {  	s7 =	ssub.s32 $0x2, s3;
	s6 =	sor.u32 s3, s5;
	s3 =	smul.u32 $0x19000, s3  }
0xc: {  	s5 =	simm.s32 $0x0;
	s9 =	sshrl.u32 s7, $0x1;
	s8 =	smul.u32 $0x32, s6  }
0xd: {  	[smem:$0x7FF] =	sst s5;
	s10 =	ssub.s32 s7, s9;
	s6 =	sshll.u32 s6, $0xC  }
0xe: {  	_ =	strace $0x80000047;
	s6 =	sand.u32 $0x3000, s6;
	s10 =	smax.u32 s10, $0x1  }
0xf: {  	s3 =	sadd.s32 s3, s29;
	s24 =	sshll.u32 s8, $0x8;
	s25 =	sshll.u32 s8, $0x1  }
0x10: {  	s12 =	sadd.s32 $0x32, s8;
	s8 =	sadd.s32 s28, s11;
	[dreg:$0x8] =	wrdreg s10  }
0x11: {  	[dreg:$0x9] =	wrdreg s3;
	s11 =	simm.s32 $0x0;
	s7 =	sand.u32 $0x7C000, s24  }
0x12: {  	s9 =	sand.u32 $0x70, s25;
	[dreg:$0x6] =	wrdreg s12;
	s30 =	sshll.u32 s8, $0xE  }
0x13: {  	s6 =	sor.u32 s7, s6;
	s26 =	sadd.s32 s0, s9;
	s31 =	sadd.s32 $0x8000, s30  }
0x14: {  	s7 =	sadd.s32 $0x1E800, s2;
	s6 =	sadd.s32 s6, s26;
	[dreg:$0xa] =	wrdreg s31  }
0x15: {  	s9 =	sadd.s32 $0xF4000, s4;
	s26 =	simm.s32 $0x6;
	[dreg:$0x7] =	wrdreg s6  }
.LBB2_1:
.Ltmp0:
0x16: {  	(pc) =	sbr.rel .LBB2_2-.Ltmp0, $3  }
0x17: {  	_ =	sdelay $0x1  }
0x18: {  	s3 =	rddreg [dreg:$0x7];
	s29 =	simm.s32 $0x0  }
0x19: {  	[tilespmem:s15], [sflag:$0x2] =	stream.strided.gather [hbm4b:s3+s13], $0x800, s14, s13, $0x38;
	[tilespmem:$0x13428] =	vst v63  }
.LBB2_9:
0x1a: {  	v0 =	vld [tilespmem:s3+$0x0];
	_ =	sdelay $0x4  }
0x1b: {  	v0 =	vmul.f32 $1.442695020e+00, v0;
	_ =	sdelay $0x1  }
0x1c: {  	(erf) = vpow2.f32 v0;
	_ =	sdelay $0x8  }
0x1d: {  	v0 =	vpop (erf)  }
0x1e: {  	[tilespmem:s3+$0x0] =	vst v0  }
0x1f: {  	[spmem:s9] =	stream.linear.scatter [tilespmem:s5], [sflag:$0x6], $0x240, $0x38;
	[tilespmem:$0x13428] =	vst v63  }
0x20: {  	_ =	swait.ge [sflag:s26], $0x240  }
0x21: {  	[sflag:s26] =	ssyncset.done $0x0  }
0x22: {  	[sflag:s26] =	ssyncadd.s32 $0xFFFFFDC0  }
.LBB2_10:
0x23: {  	s29 =	sadd.s32 $0x1, s29  }
0x24: {  	p0 =	sne.s32 s29, $0x8  }
.Ltmp1:
0x25: {  	_ = 	snop;
	(pc) =	sbr.rel @!p0 .LBB2_11-.Ltmp1, $1  }
0x26: {  	_ =	sdelay $0x3  }
.LBB2_2:
0x27: {  	s3 =	sshll.u32 s29, $0x4  }
0x28: {  	s3 =	sor.u32 s1, s3  }
0x29: {  	p0 =	sgt.u32 s3, $0x79  }
.Ltmp2:
0x2a: {  	_ = 	snop;
	(pc) =	sbr.rel @p0 .LBB2_6-.Ltmp2, $1  }
0x2b: {  	_ =	sdelay $0x3  }
0x2c: {  	s6 =	sshll.u32 s3, $0xA  }
0x2d: {  	s10 =	simm.s32 $0x0;
	s6 =	sadd.s32 s2, s6  }
0x2e: {  	[tilespmem:s10], [sflag:$0x7] =	stream.linear.gather [hbm4b:s6+s10], $0x2000, $0x38;
	[tilespmem:$0x13428] =	vst v63  }
0x2f: {  	_ =	swait.ge [sflag:s16], $0x2000  }
0x30: {  	[sflag:s16] =	ssyncset.done $0x0  }
0x31: {  	s6 =	simm.s32 $0x0;
	s10 =	simm.s32 $0x40;
	[sflag:s16] =	ssyncadd.s32 $0xFFFFE000  }
.LBB2_4:
0x32: {  	p0 =	sne.s32 s10, $0x7FC0;
	v0 =	vld [tilespmem:s6+$0x0];
	_ =	sdelay $0x4  }
0x33: {  	v0 =	vmul.f32 $1.442695020e+00, v0;
	_ =	sdelay $0x1  }
0x34: {  	(erf) = vpow2.f32 v0;
	_ =	sdelay $0x5  }
.Ltmp3:
0x35: {  	(pc) =	sbr.rel @p0 .LBB2_4-.Ltmp3, $3  }
0x36: {  	_ =	sdelay $0x1  }
0x37: {  	v0 =	vpop (erf)  }
0x38: {  	[tilespmem:s6+$0x0] =	vst v0;
	s6 =	sshra.s32 s10, $0x2;
	s10 =	sadd.s32 $0x40, s10  }
0x39: {  	v0 =	vld [tilespmem:s6+$0x0];
	_ =	sdelay $0x4  }
0x3a: {  	v0 =	vmul.f32 $1.442695020e+00, v0;
	_ =	sdelay $0x1  }
0x3b: {  	(erf) = vpow2.f32 v0;
	_ =	sdelay $0x7  }
0x3c: {  	s3 =	sshll.u32 s3, $0xD  }
0x3d: {  	s3 =	sand.u32 $0x3FFFE000, s3;
	v0 =	vpop (erf)  }
.Ltmp4:
0x3e: {  	s3 =	sadd.s32 s3, s4;
	[tilespmem:s6+$0x0] =	vst v0;
	(pc) =	sbr.rel .LBB2_10-.Ltmp4, $4  }
0x3f: {  	[spmem:s3] =	stream.linear.scatter [tilespmem:s5], [sflag:$0x7], $0x2000, $0x38;
	[tilespmem:$0x13428] =	vst v63  }
0x40: {  	_ =	swait.ge [sflag:s16], $0x2000  }
0x41: {  	[sflag:s16] =	ssyncset.done $0x0  }
0x42: {  	[sflag:s16] =	ssyncadd.s32 $0xFFFFE000  }
.LBB2_6:
0x43: {  	p0 =	sne.s32 s3, $0x7A  }
.Ltmp5:
0x44: {  	_ = 	snop;
	(pc) =	sbr.rel @p0 .LBB2_10-.Ltmp5, $1  }
0x45: {  	_ =	sdelay $0x3  }
0x46: {  	s3 =	simm.s32 $0x0  }
0x47: {  	[tilespmem:s3], [sflag:$0x7] =	stream.linear.gather [hbm4b:s7+s3], $0x240, $0x38;
	[tilespmem:$0x13428] =	vst v63  }
0x48: {  	_ =	swait.ge [sflag:s16], $0x240  }
0x49: {  	[sflag:s16] =	ssyncset.done $0x0  }
0x4a: {  	s6 =	simm.s32 $0x40;
	s3 =	simm.s32 $0x0;
	[sflag:s16] =	ssyncadd.s32 $0xFFFFFDC0  }
.LBB2_8:
0x4b: {  	p0 =	sne.s32 s6, $0x8C0;
	v0 =	vld [tilespmem:s3+$0x0];
	_ =	sdelay $0x4  }
0x4c: {  	v0 =	vmul.f32 $1.442695020e+00, v0;
	_ =	sdelay $0x1  }
0x4d: {  	(erf) = vpow2.f32 v0;
	_ =	sdelay $0x5  }
.Ltmp6:
0x4e: {  	(pc) =	sbr.rel @p0 .LBB2_8-.Ltmp6, $3  }
0x4f: {  	_ =	sdelay $0x1  }
0x50: {  	v0 =	vpop (erf)  }
0x51: {  	[tilespmem:s3+$0x0] =	vst v0;
	s3 =	sshra.s32 s6, $0x2;
	s6 =	sadd.s32 $0x40, s6  }
.Ltmp7:
0x52: {  	_ = 	snop;
	(pc) =	sbr.rel .LBB2_9-.Ltmp7, $1  }
0x53: {  	_ =	sdelay $0x3  }
.LBB2_11:
0x54: {  	[dreg:$0xb] =	wrdreg s11  }
0x55: {  	s3 =	sadd.s32 $0x0, s8;
	[bflag:$0x0] =	sbarrier.arrive $0xFFFF  }
0x56: {  	s6 =	sshll.u32 s3, $0x8;
	s12 =	rddreg [dreg:$0x9]  }
0x57: {  	s24 =	sshll.u32 s3, $0x1;
	s6 =	sand.u32 $0xFFFC000, s6;
	s10 =	sand.u32 $0x3000, s12  }
0x58: {  	s28 =	sand.u32 $0x70, s24;
	_ =	swait.ge [sflag:s17], $0x800;
	s6 =	sor.u32 s6, s10  }
0x59: {  	s25 =	sadd.s32 s0, s28;
	[sflag:s17] =	ssyncset.done $0x0;
	s24 =	sor.u32 $0x800, s6  }
0x5a: {  	p0 =	por $0x1, $0x1;
	[sflag:s17] =	ssyncadd.s32 $0xFFFFF800;
	s25 =	sadd.s32 s24, s25  }
0x5b: {  	[tilespmem:s18], [sflag:$0x3] =	stream.strided.gather [hbm4b:s25+s13], $0x800, s14, s13, $0x38;
	[tilespmem:$0x13428] =	vst v63  }
0x5c: {  	s25 =	simm.s32 @!p0 $0x4  }
0x5d: {  	_ =	swait.ge @!p0 [sflag:s25], $0x800  }
0x5e: {  	[sflag:s25] =	ssyncset.done @!p0 $0x0  }
0x5f: {  	[sflag:s25] =	ssyncadd.s32 @!p0 $0xFFFFF800  }
0x60: {  	[tilespmem:s20], [sflag:$0x1] =	stream.indirect.gather [spmem:s4], $0x1, s15, s19, $0xb8;
	[tilespmem:$0x13428] =	vst v63  }
0x61: {  	_ =	swait.ge [sflag:s21], $0x800  }
0x62: {  	s11 =	rddreg [dreg:$0x5]  }
0x63: {  	[sflag:s21] =	ssyncset.done $0x0;
	s10 =	sadd.s32 s11, s28  }
0x64: {  	[sflag:s21] =	ssyncadd.s32 $0xFFFFF800;
	s6 =	sadd.s32 s6, s10  }
0x65: {  	[hbm4b:s6+s13] =	stream.strided.scatter [tilespmem:s20], [sflag:$0x4], $0x800, s14, s13, $0x38;
	[tilespmem:$0x13428] =	vst v63  }
0x66: {  	_ =	swait.ge [sflag:s22], $0x800  }
0x67: {  	s3 =	sadd.s32 $0x2, s3;
	s28 =	rddreg [dreg:$0x6]  }
0x68: {  	p1 =	sge.u32 s3, s28  }
0x69: {  	s30 =	simm.s32 $0x2;
	s28 =	rddreg [dreg:$0xa];
	s6 =	sshll.u32 @!p1 s3, $0xB  }
0x6a: {  	s3 =	sshll.u32 @!p1 s3, $0x4;
	s25 =	sand.u32 @!p1 $0x18000, s28;
	s6 =	sand.u32 @!p1 $0x7FFE0000, s6  }
0x6b: {  	s31 =	simm.s32 $0x4;
	s3 =	sand.u32 @!p1 $0x380, s3;
	s6 =	sor.u32 @!p1 s25, s6  }
0x6c: {  	s11 =	simm.s32 @!p0 $0x5;
	[sflag:s22] =	ssyncset.done $0x0;
	s3 =	sor.u32 @!p1 s3, s6  }
0x6d: {  	[sflag:s22] =	ssyncadd.s32 $0xFFFFF800;
	s29 =	simm.s32 @!p1 $0x80;
	s3 =	sshrl.u32 @!p1 s3, $0x3  }
0x6e: {  	s25 =	simm.s32 @!p1 $0x2000;
	s6 =	simm.s32 @!p1 $0x400;
	s3 =	sadd.s32 @!p1 s0, s3  }
0x6f: {  	[tilespmem:s25], [sflag:$0x2] =	stream.strided.gather @!p1 [hbm4b:s3+s29], $0x800, s6, s29, $0x38;
	[tilespmem:$0x13428] =	vst v63  }
0x70: {  	s10 =	sadd.s32 s24, s10;
	s29 =	sadd.s32 $0x8000, s28;
	_ =	swait.ge @!p0 [sflag:s11], $0x800  }
0x71: {  	s3 =	sadd.s32 $0x2, s8;
	s6 =	sadd.s32 $0x1000, s12;
	[sflag:s11] =	ssyncset.done @!p0 $0x0  }
0x72: {  	s24 =	sand.u32 $0x3000, s6;
	s25 =	sshll.u32 s3, $0x8;
	[sflag:s11] =	ssyncadd.s32 @!p0 $0xFFFFF800  }
.LBB2_12:
0x73: {  	[tilespmem:s23], [sflag:$0x1] =	stream.indirect.gather [spmem:s4], $0x1, s18, s19, $0xb8;
	[tilespmem:$0x13428] =	vst v63  }
0x74: {  	_ =	swait.ge [sflag:s21], $0x800  }
0x75: {  	s25 =	sand.u32 $0xFFFC000, s25;
	[sflag:s21] =	ssyncset.done $0x0  }
0x76: {  	s12 =	sshll.u32 s3, $0x1;
	p1 =	seq.s32 s30, $0x0;
	[sflag:s21] =	ssyncadd.s32 $0xFFFFF800  }
0x77: {  	[hbm4b:s10+s13] =	stream.strided.scatter [tilespmem:s23], [sflag:$0x5], $0x800, s14, s13, $0x38;
	[tilespmem:$0x13428] =	vst v63  }
0x78: {  	s24 =	sor.u32 s25, s24;
	s12 =	sand.u32 $0x70, s12;
	_ =	swait.ge [sflag:s17], $0x800  }
0x79: {  	s25 =	sor.u32 $0x800, s24;
	s28 =	sadd.s32 s0, s12;
	[sflag:s17] =	ssyncset.done $0x0  }
0x7a: {  	s28 =	sadd.s32 s25, s28;
	s10 =	simm.s32 @!p1 $0x4;
	[sflag:s17] =	ssyncadd.s32 $0xFFFFF800  }
0x7b: {  	[tilespmem:s18], [sflag:$0x3] =	stream.strided.gather [hbm4b:s28+s13], $0x800, s14, s13, $0x38;
	[tilespmem:$0x13428] =	vst v63  }
0x7c: {  	_ =	swait.ge @!p1 [sflag:s10], $0x800  }
0x7d: {  	[sflag:s10] =	ssyncset.done @!p1 $0x0  }
0x7e: {  	[sflag:s10] =	ssyncadd.s32 @!p1 $0xFFFFF800  }
0x7f: {  	[tilespmem:s20], [sflag:$0x1] =	stream.indirect.gather [spmem:s4], $0x1, s15, s19, $0xb8;
	[tilespmem:$0x13428] =	vst v63  }
0x80: {  	s11 =	smov.u32 s31;
	_ =	swait.ge [sflag:s21], $0x800  }
0x81: {  	s30 =	smov.u32 s11;
	s11 =	rddreg [dreg:$0x5]  }
0x82: {  	[sflag:s21] =	ssyncset.done $0x0;
	s10 =	sadd.s32 s11, s12  }
0x83: {  	[sflag:s21] =	ssyncadd.s32 $0xFFFFF800;
	s24 =	sadd.s32 s24, s10  }
0x84: {  	[hbm4b:s24+s13] =	stream.strided.scatter [tilespmem:s20], [sflag:$0x4], $0x800, s14, s13, $0x38;
	[tilespmem:$0x13428] =	vst v63  }
0x85: {  	_ =	swait.ge [sflag:s22], $0x800  }
0x86: {  	s3 =	sadd.s32 $0x2, s3;
	s28 =	rddreg [dreg:$0x6]  }
0x87: {  	s31 =	sadd.s32 $0x2, s31;
	p2 =	sge.u32 s3, s28  }
0x88: {  	p0 =	sne.s32 s31, $0x32;
	s10 =	sadd.s32 s25, s10;
	s11 =	sshll.u32 @!p2 s3, $0xB  }
0x89: {  	s3 =	sshll.u32 @!p2 s3, $0x4;
	s12 =	sand.u32 @!p2 $0x18000, s29;
	s11 =	sand.u32 @!p2 $0x7FFE0000, s11  }
0x8a: {  	[sflag:s22] =	ssyncset.done $0x0;
	s3 =	sand.u32 @!p2 $0x380, s3;
	s11 =	sor.u32 @!p2 s12, s11  }
0x8b: {  	[sflag:s22] =	ssyncadd.s32 $0xFFFFF800;
	s24 =	simm.s32 @!p2 $0x2000;
	s3 =	sor.u32 @!p2 s3, s11  }
0x8c: {  	s25 =	simm.s32 @!p2 $0x80;
	s12 =	simm.s32 @!p1 $0x5;
	s3 =	sshrl.u32 @!p2 s3, $0x3  }
.Ltmp8:
0x8d: {  	s11 =	simm.s32 @!p2 $0x400;
	s3 =	sadd.s32 @!p2 s0, s3;
	(pc) =	sbr.rel @p0 .LBB2_12-.Ltmp8, $4  }
0x8e: {  	[tilespmem:s24], [sflag:$0x2] =	stream.strided.gather @!p2 [hbm4b:s3+s25], $0x800, s11, s25, $0x38;
	[tilespmem:$0x13428] =	vst v63  }
0x8f: {  	s6 =	sadd.s32 $0x1000, s6;
	_ =	swait.ge @!p1 [sflag:s12], $0x800  }
0x90: {  	s29 =	sadd.s32 $0x8000, s29;
	s3 =	sadd.s32 s30, s8;
	[sflag:s12] =	ssyncset.done @!p1 $0x0  }
0x91: {  	s24 =	sand.u32 $0x3000, s6;
	s25 =	sshll.u32 s3, $0x8;
	[sflag:s12] =	ssyncadd.s32 @!p1 $0xFFFFF800  }
0x92: {  	[tilespmem:s23], [sflag:$0x1] =	stream.indirect.gather [spmem:s4], $0x1, s18, s19, $0xb8;
	[tilespmem:$0x13428] =	vst v63  }
0x93: {  	_ =	swait.ge [sflag:s21], $0x800  }
0x94: {  	[sflag:s21] =	ssyncset.done $0x0  }
0x95: {  	s6 =	sand.u32 $0xFFFC000, s25;
	s11 =	sshll.u32 s3, $0x1;
	[sflag:s21] =	ssyncadd.s32 $0xFFFFF800  }
0x96: {  	[hbm4b:s10+s13] =	stream.strided.scatter [tilespmem:s23], [sflag:$0x5], $0x800, s14, s13, $0x38;
	[tilespmem:$0x13428] =	vst v63  }
0x97: {  	s6 =	sor.u32 s6, s24;
	s25 =	sand.u32 $0x70, s11;
	_ =	swait.ge [sflag:s17], $0x800  }
0x98: {  	s28 =	sor.u32 $0x800, s6;
	s12 =	sadd.s32 s0, s25;
	[sflag:s17] =	ssyncset.done $0x0  }
0x99: {  	p0 =	seq.s32 s30, $0x0;
	s12 =	sadd.s32 s28, s12;
	[sflag:s17] =	ssyncadd.s32 $0xFFFFF800  }
0x9a: {  	[tilespmem:s18], [sflag:$0x3] =	stream.strided.gather [hbm4b:s12+s13], $0x800, s14, s13, $0x38;
	[tilespmem:$0x13428] =	vst v63  }
0x9b: {  	s12 =	simm.s32 @!p0 $0x4  }
0x9c: {  	_ =	swait.ge @!p0 [sflag:s12], $0x800  }
0x9d: {  	[sflag:s12] =	ssyncset.done @!p0 $0x0  }
0x9e: {  	[sflag:s12] =	ssyncadd.s32 @!p0 $0xFFFFF800  }
0x9f: {  	[tilespmem:s20], [sflag:$0x1] =	stream.indirect.gather [spmem:s4], $0x1, s15, s19, $0xb8;
	[tilespmem:$0x13428] =	vst v63  }
0xa0: {  	_ =	swait.ge [sflag:s21], $0x800  }
0xa1: {  	s31 =	rddreg [dreg:$0x5]  }
0xa2: {  	[sflag:s21] =	ssyncset.done $0x0;
	s10 =	sadd.s32 s31, s25  }
0xa3: {  	[sflag:s21] =	ssyncadd.s32 $0xFFFFF800;
	s6 =	sadd.s32 s6, s10  }
0xa4: {  	[hbm4b:s6+s13] =	stream.strided.scatter [tilespmem:s20], [sflag:$0x4], $0x800, s14, s13, $0x38;
	[tilespmem:$0x13428] =	vst v63  }
0xa5: {  	_ =	swait.ge [sflag:s22], $0x800  }
0xa6: {  	s3 =	sadd.s32 $0x2, s3;
	s24 =	rddreg [dreg:$0x6]  }
0xa7: {  	p1 =	sge.u32 s3, s24  }
0xa8: {  	s6 =	sshll.u32 @!p1 s3, $0xB  }
0xa9: {  	s3 =	sshll.u32 @!p1 s3, $0x4;
	s12 =	sand.u32 @!p1 $0x18000, s29;
	s6 =	sand.u32 @!p1 $0x7FFE0000, s6  }
0xaa: {  	[sflag:s22] =	ssyncset.done $0x0;
	s3 =	sand.u32 @!p1 $0x380, s3;
	s6 =	sor.u32 @!p1 s12, s6  }
0xab: {  	[sflag:s22] =	ssyncadd.s32 $0xFFFFF800;
	s3 =	sor.u32 @!p1 s3, s6  }
0xac: {  	s24 =	simm.s32 @!p1 $0x2000;
	s25 =	simm.s32 @!p1 $0x80;
	s3 =	sshrl.u32 @!p1 s3, $0x3  }
0xad: {  	s12 =	simm.s32 @!p0 $0x5;
	s6 =	simm.s32 @!p1 $0x400;
	s3 =	sadd.s32 @!p1 s0, s3  }
0xae: {  	[tilespmem:s24], [sflag:$0x2] =	stream.strided.gather @!p1 [hbm4b:s3+s25], $0x800, s6, s25, $0x38;
	[tilespmem:$0x13428] =	vst v63  }
0xaf: {  	_ =	swait.ge @!p0 [sflag:s12], $0x800  }
0xb0: {  	[sflag:s12] =	ssyncset.done @!p0 $0x0  }
0xb1: {  	[sflag:s12] =	ssyncadd.s32 @!p0 $0xFFFFF800  }
0xb2: {  	[tilespmem:s23], [sflag:$0x1] =	stream.indirect.gather [spmem:s4], $0x1, s18, s19, $0xb8;
	[tilespmem:$0x13428] =	vst v63  }
0xb3: {  	_ =	swait.ge [sflag:s21], $0x800  }
0xb4: {  	[sflag:s21] =	ssyncset.done $0x0  }
0xb5: {  	s25 =	sadd.s32 s28, s10;
	s28 =	simm.s32 $0x4;
	[sflag:s21] =	ssyncadd.s32 $0xFFFFF800  }
0xb6: {  	[hbm4b:s25+s13] =	stream.strided.scatter [tilespmem:s23], [sflag:$0x5], $0x800, s14, s13, $0x38;
	[tilespmem:$0x13428] =	vst v63  }
0xb7: {  	_ =	swait.ge [sflag:s28], $0x800  }
0xb8: {  	[sflag:s28] =	ssyncset.done $0x0  }
0xb9: {  	s29 =	simm.s32 $0x5;
	[sflag:s28] =	ssyncadd.s32 $0xFFFFF800  }
0xba: {  	_ =	swait.ge [sflag:s29], $0x800  }
0xbb: {  	s30 =	rddreg [dreg:$0xb]  }
0xbc: {  	s31 =	rddreg [dreg:$0x8];
	s11 =	sadd.s32 $0x1, s30  }
0xbd: {  	p0 =	sne.s32 s11, s31  }
.Ltmp9:
0xbe: {  	_ = 	snop;
	(pc) =	sbr.rel @p0 .LBB2_1-.Ltmp9, $3  }
0xbf: {  	_ =	sdelay $0x1  }
0xc0: {  	[sflag:s29] =	ssyncset.done $0x0  }
0xc1: {  	[sflag:s29] =	ssyncadd.s32 $0xFFFFF800  }
0xc2: {  	_ =	sfence.sel $0x180000  }
0xc3: {  	[bflag:$0x0] =	sbarrier.arrive $0xFFFF  }
0xc4: {  	_ =	strace $0x90000047  }
0xc5: {  	[bflag:$0x2] =	sbarrier.arrive $0xFFFF  }
0xc6: {  	p0 =	sne.s32 s1, $0x0;
	s0 =	rddreg [dreg:$0x4]  }
0xc7: {  	s0 =	sadd.s32 @!p0 $0x100000, s0  }
0xc8: {  	[sflag:s0] =	ssyncadd.tile.s32 @!p0 $0x1;
	_ =	shalt  }
.Lfunc_end2:
_tile_overlayer_lowered:
.L_overlay_start_2:
0xc9: {  	(tag) =	ssettag $0x2  }
0xca: {  	s0 =	rddreg [dreg:$0x0];
	s2 =	stileid.u32  }
0xcb: {  	s1 =	rddreg [dreg:$0x1];
	p0 =	sne.s32 s2, $0x0  }
0xcc: {  	s3 =	rddreg [dreg:$0x2];
	[bflag:$0x3] =	sbarrier.arrive $0xFFFF;
	s2 =	simm.s32 @!p0 $0x1C06  }
0xcd: {  	[timem:s3], [sflag:s2] =	dma.local @!p0 [hbm:s0], s1  }
0xce: {  	s0 =	simm.s32 @!p0 $0x6  }
0xcf: {  	_ =	swait.ge @!p0 [sflag:s0], s1  }
0xd0: {  	s1 =	ssub.s32 @!p0 $0x0, s1;
	[sflag:s0] =	ssyncset.done @!p0 $0x0  }
0xd1: {  	[sflag:s0] =	ssyncadd.s32 @!p0 s1  }
0xd2: {  	[bflag:$0x3] =	sbarrier.arrive $0xFFFF  }
0xd3: {  	_ =	shalt  }

</sc_bundles>
